<compile_context>
chip_gen: v7x
topology: tpu7x:2x2x1
jax: 0.10.2.dev20260603
libtpu: 0.0.44.dev20260713+nightly
codegen_flags: <defaults>
</compile_context>

<pallas_src>
import functools

import jax
import jax.numpy as jnp
from jax import lax
from jax.experimental import pallas as pl
from jax.experimental.pallas import tpu as pltpu
from jax.experimental.pallas import tpu_sc as plsc

VOCAB = 100000
D_MODEL = 1024
BATCH = 4
SEQ = 4096

NUM_CORES = 2
NUM_SUBCORES = 16
NUM_WORKERS = NUM_CORES * NUM_SUBCORES
ROWS = BATCH * SEQ
ROWS_PER_WORKER = ROWS // NUM_WORKERS
WORKERS_PER_B = SEQ // ROWS_PER_WORKER
CHUNK = 8
NCHUNK = ROWS_PER_WORKER // CHUNK
NBUF = 8
LEAD = 4
SLACK = NBUF - LEAD

_mesh = plsc.VectorSubcoreMesh(core_axis_name="c", subcore_axis_name="s")


@functools.partial(
    pl.kernel,
    mesh=_mesh,
    out_type=jax.ShapeDtypeStruct((SEQ, BATCH, D_MODEL), jnp.float32),
    scratch_types=(
        [pltpu.VMEM((ROWS_PER_WORKER,), jnp.int32)]
        + [pltpu.VMEM((CHUNK, D_MODEL), jnp.float32) for _ in range(NBUF)]
        + [pltpu.SemaphoreType.DMA for _ in range(2 * NBUF)]
    ),
)
def _embed_gather(ids_hbm, table_hbm, out_hbm, idx_v, *rest):
    bufs = rest[:NBUF]
    gsems = rest[NBUF:2 * NBUF]
    osems = rest[2 * NBUF:]
    wid = lax.axis_index("s") * NUM_CORES + lax.axis_index("c")
    b = wid // WORKERS_PER_B
    s0 = (wid % WORKERS_PER_B) * ROWS_PER_WORKER
    pltpu.sync_copy(ids_hbm.at[b, pl.ds(s0, ROWS_PER_WORKER)], idx_v)

    def fire_gather(g, m):
        off = pl.multiple_of(g * CHUNK, CHUNK)
        pltpu.async_copy(table_hbm.at[idx_v.at[pl.ds(off, CHUNK)]],
                         bufs[m], gsems[m])

    def out_slice(g):
        off = pl.multiple_of(g * CHUNK, CHUNK)
        return out_hbm.at[pl.ds(s0 + off, CHUNK), b]

    for g0 in range(LEAD):
        fire_gather(g0, g0)

    def loop_body(h, carry):
        for m in range(NBUF):
            g = h * NBUF + m
            pltpu.make_async_copy(table_hbm.at[pl.ds(0, CHUNK)], bufs[m],
                                  gsems[m]).wait()
            pltpu.async_copy(bufs[m], out_slice(g), osems[m])

            m2 = (m + LEAD) % NBUF

            @pl.when(g >= SLACK)
            def _():
                pltpu.make_async_copy(bufs[m2], out_slice(g - SLACK),
                                      osems[m2]).wait()

            @pl.when(g + LEAD < NCHUNK)
            def _():
                fire_gather(g + LEAD, m2)
        return carry

    lax.fori_loop(0, NCHUNK // NBUF, loop_body, 0)

    for g in range(NCHUNK - SLACK, NCHUNK):
        m = g % NBUF
        pltpu.make_async_copy(bufs[m], out_slice(g), osems[m]).wait()


def kernel(input_ids, embed_tokens):
    hidden = _embed_gather(input_ids.astype(jnp.int32), embed_tokens)
    return hidden, input_ids

# --- scband reference (transcript-rebuilt; emitter-appended) ---
"""Pipeline reference for scband-llama-embeddings-58265526338242 (READ-ONLY COPY).

The authoritative reference and input builder live on the scoring server;
editing this copy changes nothing except your own understanding.
"""

import jax, jax.numpy as jnp
import numpy as np

VOCAB = 100000
D_MODEL = 1024
BATCH = 4
SEQ = 4096

def setup_inputs(seed: int = 0) -> dict:
    key = jax.random.key(seed)
    k_ids, k_tab = jax.random.split(key)
    input_ids = jax.random.randint(k_ids, (BATCH, SEQ), 0, VOCAB, dtype=jnp.int64 if jax.config.jax_enable_x64 else jnp.int32)
    embed_tokens = jax.random.normal(k_tab, (VOCAB, D_MODEL), dtype=jnp.float32) * 0.02
    return {"input_ids": input_ids, "embed_tokens": embed_tokens}

def reference(input_ids, embed_tokens):
    # hidden_states = self.embed_tokens(input_ids)
    hidden_states = jnp.take(embed_tokens, input_ids, axis=0)  # [B, S, D]
    # hidden_states.permute(1, 0, 2).contiguous()
    hidden_states = jnp.transpose(hidden_states, (1, 0, 2))  # [S, B, D]
    # input_ids.clone()
    input_ids_out = jnp.array(input_ids)
    return (hidden_states, input_ids_out)

if __name__ == "__main__":
    import jax
    _d = setup_inputs()
    print(jax.jit(kernel)(*tuple(_d.values())))

</pallas_src>

<mosaic_0001>
#map = affine_map<(d0, d1) -> (0, 0)>
#map1 = affine_map<(d0, d1) -> (0, 0, 0)>
module attributes {stable_mosaic.version = 14 : i64} {
  func.func @_embed_gather(%arg0: i32, %arg1: i32, %arg2: memref<4x4096xi32, #tpu.memory_space<hbm>>, %arg3: memref<100000x1024xf32, #tpu.memory_space<hbm>>, %arg4: memref<4096x4x1024xf32, #tpu.memory_space<hbm>>, %arg5: memref<512xi32, #tpu.memory_space<vmem>>, %arg6: memref<8x1024xf32, #tpu.memory_space<vmem>>, %arg7: memref<8x1024xf32, #tpu.memory_space<vmem>>, %arg8: memref<8x1024xf32, #tpu.memory_space<vmem>>, %arg9: memref<8x1024xf32, #tpu.memory_space<vmem>>, %arg10: memref<8x1024xf32, #tpu.memory_space<vmem>>, %arg11: memref<8x1024xf32, #tpu.memory_space<vmem>>, %arg12: memref<8x1024xf32, #tpu.memory_space<vmem>>, %arg13: memref<8x1024xf32, #tpu.memory_space<vmem>>, %arg14: memref<!tpu.dma_semaphore, #tpu.memory_space<semaphore_mem>>, %arg15: memref<!tpu.dma_semaphore, #tpu.memory_space<semaphore_mem>>, %arg16: memref<!tpu.dma_semaphore, #tpu.memory_space<semaphore_mem>>, %arg17: memref<!tpu.dma_semaphore, #tpu.memory_space<semaphore_mem>>, %arg18: memref<!tpu.dma_semaphore, #tpu.memory_space<semaphore_mem>>, %arg19: memref<!tpu.dma_semaphore, #tpu.memory_space<semaphore_mem>>, %arg20: memref<!tpu.dma_semaphore, #tpu.memory_space<semaphore_mem>>, %arg21: memref<!tpu.dma_semaphore, #tpu.memory_space<semaphore_mem>>, %arg22: memref<!tpu.dma_semaphore, #tpu.memory_space<semaphore_mem>>, %arg23: memref<!tpu.dma_semaphore, #tpu.memory_space<semaphore_mem>>, %arg24: memref<!tpu.dma_semaphore, #tpu.memory_space<semaphore_mem>>, %arg25: memref<!tpu.dma_semaphore, #tpu.memory_space<semaphore_mem>>, %arg26: memref<!tpu.dma_semaphore, #tpu.memory_space<semaphore_mem>>, %arg27: memref<!tpu.dma_semaphore, #tpu.memory_space<semaphore_mem>>, %arg28: memref<!tpu.dma_semaphore, #tpu.memory_space<semaphore_mem>>, %arg29: memref<!tpu.dma_semaphore, #tpu.memory_space<semaphore_mem>>) attributes {dimension_semantics = [#tpu.dimension_semantics<core_parallel>, #tpu.dimension_semantics<subcore_parallel>], iteration_bounds = array<i64: 2, 16>, scalar_prefetch = 0 : i64, scratch_operands = 25 : i64, tpu.core_type = #tpu.core_type<sc_vector_subcore>, window_params = [{transform_indices = #map}, {transform_indices = #map}, {transform_indices = #map1}]} {
    %mul3A = arith.constant 2 : i32
    %mul3A_0 = arith.muli %arg1, %mul3A : i32
    %add3A = arith.addi %mul3A_0, %arg0 : i32
    %jit3A = arith.constant 8 : i32
    %div3A = arith.divsi %add3A, %jit3A : i32
    %sign3A = arith.constant 0 : i32
    %sign3A_1 = arith.cmpi sgt, %add3A, %sign3A : i32
    %sign3A_2 = arith.extui %sign3A_1 : i1 to i32
    %sign3A_3 = arith.constant 0 : i32
    %sign3A_4 = arith.cmpi slt, %add3A, %sign3A_3 : i32
    %sign3A_5 = arith.extui %sign3A_4 : i1 to i32
    %sign3A_6 = arith.subi %sign3A_2, %sign3A_5 : i32
    %sign3A_7 = arith.constant 0 : i32
    %sign3A_8 = arith.cmpi sgt, %jit3A, %sign3A_7 : i32
    %sign3A_9 = arith.extui %sign3A_8 : i1 to i32
    %sign3A_10 = arith.constant 0 : i32
    %sign3A_11 = arith.cmpi slt, %jit3A, %sign3A_10 : i32
    %sign3A_12 = arith.extui %sign3A_11 : i1 to i32
    %sign3A_13 = arith.subi %sign3A_9, %sign3A_12 : i32
    %ne3A = arith.cmpi ne, %sign3A_6, %sign3A_13 : i32
    %rem3A = arith.remsi %add3A, %jit3A : i32
    %ne3A_14 = arith.constant 0 : i32
    %ne3A_15 = arith.cmpi ne, %rem3A, %ne3A_14 : i32
    %and3A = arith.andi %ne3A, %ne3A_15 : i1
    %sub3A = arith.constant 1 : i32
    %sub3A_16 = arith.subi %div3A, %sub3A : i32
    %select_n3A = arith.select %and3A, %sub3A_16, %div3A : i32
    %jit3A_17 = arith.constant 8 : i32
    %eq3A = arith.constant 0 : i32
    %eq3A_18 = arith.cmpi eq, %jit3A_17, %eq3A : i32
    %jit3A_19 = arith.constant 1 : i32
    %select_n3A_20 = arith.select %eq3A_18, %jit3A_19, %jit3A_17 : i32
    %rem3A_21 = arith.remsi %add3A, %select_n3A_20 : i32
    %ne3A_22 = arith.constant 0 : i32
    %ne3A_23 = arith.cmpi ne, %rem3A_21, %ne3A_22 : i32
    %lt3A = arith.constant 0 : i32
    %lt3A_24 = arith.cmpi slt, %rem3A_21, %lt3A : i32
    %lt3A_25 = arith.constant 0 : i32
    %lt3A_26 = arith.cmpi slt, %select_n3A_20, %lt3A_25 : i32
    %ne3A_27 = arith.xori %lt3A_24, %lt3A_26 : i1
    %and3A_28 = arith.andi %ne3A_27, %ne3A_23 : i1
    %add3A_29 = arith.addi %rem3A_21, %select_n3A_20 : i32
    %select_n3A_30 = arith.select %and3A_28, %add3A_29, %rem3A_21 : i32
    %mul3A_31 = arith.constant 512 : i32
    %mul3A_32 = arith.muli %select_n3A_30, %mul3A_31 : i32
    "tpu.region"() ({
      %run_scoped3A = tpu.sem_alloc : memref<!tpu.dma_semaphore, #tpu.memory_space<semaphore_mem>>
      %dma_start3A_95 = tpu.memref_slice %arg2[%select_n3A, %mul3A_32] : memref<4x4096xi32, #tpu.memory_space<hbm>> -> memref<1x512xi32, #tpu.memory_space<hbm>>
      %dma_start3A_96 = tpu.memref_squeeze %dma_start3A_95 : memref<1x512xi32, #tpu.memory_space<hbm>> -> memref<512xi32, #tpu.memory_space<hbm>>
      %dma_start3A_97 = tpu.memref_slice %arg2[%select_n3A, %mul3A_32] : memref<4x4096xi32, #tpu.memory_space<hbm>> -> memref<1x512xi32, #tpu.memory_space<hbm>>
      %dma_start3A_98 = tpu.memref_squeeze %dma_start3A_97 : memref<1x512xi32, #tpu.memory_space<hbm>> -> memref<512xi32, #tpu.memory_space<hbm>>
      tpu.enqueue_dma source(%dma_start3A_98 : memref<512xi32, #tpu.memory_space<hbm>>) target(%arg5 : memref<512xi32, #tpu.memory_space<vmem>>) target_semaphore(%run_scoped3A : memref<!tpu.dma_semaphore, #tpu.memory_space<semaphore_mem>>)
      %dma_wait3A_99 = tpu.memref_slice %arg2[%select_n3A, %mul3A_32] : memref<4x4096xi32, #tpu.memory_space<hbm>> -> memref<1x512xi32, #tpu.memory_space<hbm>>
      %dma_wait3A_100 = tpu.memref_squeeze %dma_wait3A_99 : memref<1x512xi32, #tpu.memory_space<hbm>> -> memref<512xi32, #tpu.memory_space<hbm>>
      %dma_wait3A_101 = tpu.memref_slice %arg2[%select_n3A, %mul3A_32] : memref<4x4096xi32, #tpu.memory_space<hbm>> -> memref<1x512xi32, #tpu.memory_space<hbm>>
      %dma_wait3A_102 = tpu.memref_squeeze %dma_wait3A_101 : memref<1x512xi32, #tpu.memory_space<hbm>> -> memref<512xi32, #tpu.memory_space<hbm>>
      tpu.wait_dma2 semaphore(%run_scoped3A : memref<!tpu.dma_semaphore, #tpu.memory_space<semaphore_mem>>) src(%dma_wait3A_102 : memref<512xi32, #tpu.memory_space<hbm>>) dst(%arg5 : memref<512xi32, #tpu.memory_space<vmem>>)
      tpu.yield
    }) : () -> ()
    %multiple_of3A = arith.constant 0 : i32
    %multiple_of3A_33 = tpu.assume_multiple %multiple_of3A, 8 : i32
    %dma_start3A = tpu.memref_slice %arg5[%multiple_of3A_33] : memref<512xi32, #tpu.memory_space<vmem>> -> memref<8xi32, #tpu.memory_space<vmem>>
    %dma_start3A_34 = arith.constant 0 : i32
    %dma_start3A_35 = arith.constant 0 : i32
    %dma_start3A_36 = tpu.memref_slice %arg3[%dma_start3A_34, %dma_start3A_35] : memref<100000x1024xf32, #tpu.memory_space<hbm>> -> memref<100000x1024xf32, #tpu.memory_space<hbm>>
    tpu.enqueue_indirect_dma source(%dma_start3A_36 : memref<100000x1024xf32, #tpu.memory_space<hbm>>) target(%arg6 : memref<8x1024xf32, #tpu.memory_space<vmem>>) offsets(%dma_start3A : memref<8xi32, #tpu.memory_space<vmem>>) semaphore(%arg14 : memref<!tpu.dma_semaphore, #tpu.memory_space<semaphore_mem>>)
    %multiple_of3A_37 = arith.constant 8 : i32
    %multiple_of3A_38 = tpu.assume_multiple %multiple_of3A_37, 8 : i32
    %dma_start3A_39 = tpu.memref_slice %arg5[%multiple_of3A_38] : memref<512xi32, #tpu.memory_space<vmem>> -> memref<8xi32, #tpu.memory_space<vmem>>
    %dma_start3A_40 = arith.constant 0 : i32
    %dma_start3A_41 = arith.constant 0 : i32
    %dma_start3A_42 = tpu.memref_slice %arg3[%dma_start3A_40, %dma_start3A_41] : memref<100000x1024xf32, #tpu.memory_space<hbm>> -> memref<100000x1024xf32, #tpu.memory_space<hbm>>
    tpu.enqueue_indirect_dma source(%dma_start3A_42 : memref<100000x1024xf32, #tpu.memory_space<hbm>>) target(%arg7 : memref<8x1024xf32, #tpu.memory_space<vmem>>) offsets(%dma_start3A_39 : memref<8xi32, #tpu.memory_space<vmem>>) semaphore(%arg15 : memref<!tpu.dma_semaphore, #tpu.memory_space<semaphore_mem>>)
    %multiple_of3A_43 = arith.constant 16 : i32
    %multiple_of3A_44 = tpu.assume_multiple %multiple_of3A_43, 8 : i32
    %dma_start3A_45 = tpu.memref_slice %arg5[%multiple_of3A_44] : memref<512xi32, #tpu.memory_space<vmem>> -> memref<8xi32, #tpu.memory_space<vmem>>
    %dma_start3A_46 = arith.constant 0 : i32
    %dma_start3A_47 = arith.constant 0 : i32
    %dma_start3A_48 = tpu.memref_slice %arg3[%dma_start3A_46, %dma_start3A_47] : memref<100000x1024xf32, #tpu.memory_space<hbm>> -> memref<100000x1024xf32, #tpu.memory_space<hbm>>
    tpu.enqueue_indirect_dma source(%dma_start3A_48 : memref<100000x1024xf32, #tpu.memory_space<hbm>>) target(%arg8 : memref<8x1024xf32, #tpu.memory_space<vmem>>) offsets(%dma_start3A_45 : memref<8xi32, #tpu.memory_space<vmem>>) semaphore(%arg16 : memref<!tpu.dma_semaphore, #tpu.memory_space<semaphore_mem>>)
    %multiple_of3A_49 = arith.constant 24 : i32
    %multiple_of3A_50 = tpu.assume_multiple %multiple_of3A_49, 8 : i32
    %dma_start3A_51 = tpu.memref_slice %arg5[%multiple_of3A_50] : memref<512xi32, #tpu.memory_space<vmem>> -> memref<8xi32, #tpu.memory_space<vmem>>
    %dma_start3A_52 = arith.constant 0 : i32
    %dma_start3A_53 = arith.constant 0 : i32
    %dma_start3A_54 = tpu.memref_slice %arg3[%dma_start3A_52, %dma_start3A_53] : memref<100000x1024xf32, #tpu.memory_space<hbm>> -> memref<100000x1024xf32, #tpu.memory_space<hbm>>
    tpu.enqueue_indirect_dma source(%dma_start3A_54 : memref<100000x1024xf32, #tpu.memory_space<hbm>>) target(%arg9 : memref<8x1024xf32, #tpu.memory_space<vmem>>) offsets(%dma_start3A_51 : memref<8xi32, #tpu.memory_space<vmem>>) semaphore(%arg17 : memref<!tpu.dma_semaphore, #tpu.memory_space<semaphore_mem>>)
    %scan3A = arith.constant 0 : i32
    %scan3A_55 = arith.constant 0 : i32
    %scan3A_56 = arith.constant 8 : i32
    %scan3A_57 = arith.addi %scan3A_55, %scan3A_56 : i32
    %scan3A_58 = arith.constant 1 : i32
    scf.for %scan3A_95 = %scan3A_55 to %scan3A_57 step %scan3A_58  : i32 {
      %mul3A_96 = arith.constant 8 : i32
      %mul3A_97 = arith.muli %scan3A_95, %mul3A_96 : i32
      %add3A_98 = arith.constant 0 : i32
      %add3A_99 = arith.addi %mul3A_97, %add3A_98 : i32
      %dma_wait3A_100 = arith.constant 0 : i32
      %dma_wait3A_101 = arith.constant 0 : i32
      %dma_wait3A_102 = tpu.memref_slice %arg3[%dma_wait3A_100, %dma_wait3A_101] : memref<100000x1024xf32, #tpu.memory_space<hbm>> -> memref<8x1024xf32, #tpu.memory_space<hbm>>
      %dma_wait3A_103 = arith.constant 0 : i32
      %dma_wait3A_104 = arith.constant 0 : i32
      %dma_wait3A_105 = tpu.memref_slice %arg3[%dma_wait3A_103, %dma_wait3A_104] : memref<100000x1024xf32, #tpu.memory_space<hbm>> -> memref<8x1024xf32, #tpu.memory_space<hbm>>
      tpu.wait_dma2 semaphore(%arg14 : memref<!tpu.dma_semaphore, #tpu.memory_space<semaphore_mem>>) src(%dma_wait3A_105 : memref<8x1024xf32, #tpu.memory_space<hbm>>) dst(%arg6 : memref<8x1024xf32, #tpu.memory_space<vmem>>)
      %mul3A_106 = arith.constant 8 : i32
      %mul3A_107 = arith.muli %add3A_99, %mul3A_106 : i32
      %multiple_of3A_108 = tpu.assume_multiple %mul3A_107, 8 : i32
      %add3A_109 = arith.addi %mul3A_32, %multiple_of3A_108 : i32
      %dma_start3A_110 = arith.constant 0 : i32
      %dma_start3A_111 = tpu.memref_slice %arg4[%add3A_109, %select_n3A, %dma_start3A_110] : memref<4096x4x1024xf32, #tpu.memory_space<hbm>> -> memref<8x1x1024xf32, #tpu.memory_space<hbm>>
      %dma_start3A_112 = tpu.memref_squeeze %dma_start3A_111 : memref<8x1x1024xf32, #tpu.memory_space<hbm>> -> memref<8x1024xf32, #tpu.memory_space<hbm>>
      %dma_start3A_113 = arith.constant 0 : i32
      %dma_start3A_114 = tpu.memref_slice %arg4[%add3A_109, %select_n3A, %dma_start3A_113] : memref<4096x4x1024xf32, #tpu.memory_space<hbm>> -> memref<8x1x1024xf32, #tpu.memory_space<hbm>>
      %dma_start3A_115 = tpu.memref_squeeze %dma_start3A_114 : memref<8x1x1024xf32, #tpu.memory_space<hbm>> -> memref<8x1024xf32, #tpu.memory_space<hbm>>
      tpu.enqueue_dma source(%arg6 : memref<8x1024xf32, #tpu.memory_space<vmem>>) target(%dma_start3A_115 : memref<8x1024xf32, #tpu.memory_space<hbm>>) target_semaphore(%arg22 : memref<!tpu.dma_semaphore, #tpu.memory_space<semaphore_mem>>)
      %ge3A = arith.constant 4 : i32
      %ge3A_116 = arith.cmpi sge, %add3A_99, %ge3A : i32
      %convert_element_type3A = arith.extui %ge3A_116 : i1 to i32
      %cond3A = arith.constant 0 : i32
      %cond3A_117 = arith.cmpi ne, %convert_element_type3A, %cond3A : i32
      scf.if %cond3A_117 {
        %sub3A_349 = arith.constant 4 : i32
        %sub3A_350 = arith.subi %add3A_99, %sub3A_349 : i32
        %mul3A_351 = arith.constant 8 : i32
        %mul3A_352 = arith.muli %sub3A_350, %mul3A_351 : i32
        %multiple_of3A_353 = tpu.assume_multiple %mul3A_352, 8 : i32
        %add3A_354 = arith.addi %mul3A_32, %multiple_of3A_353 : i32
        %dma_wait3A_355 = arith.constant 0 : i32
        %dma_wait3A_356 = tpu.memref_slice %arg4[%add3A_354, %select_n3A, %dma_wait3A_355] : memref<4096x4x1024xf32, #tpu.memory_space<hbm>> -> memref<8x1x1024xf32, #tpu.memory_space<hbm>>
        %dma_wait3A_357 = tpu.memref_squeeze %dma_wait3A_356 : memref<8x1x1024xf32, #tpu.memory_space<hbm>> -> memref<8x1024xf32, #tpu.memory_space<hbm>>
        %dma_wait3A_358 = arith.constant 0 : i32
        %dma_wait3A_359 = tpu.memref_slice %arg4[%add3A_354, %select_n3A, %dma_wait3A_358] : memref<4096x4x1024xf32, #tpu.memory_space<hbm>> -> memref<8x1x1024xf32, #tpu.memory_space<hbm>>
        %dma_wait3A_360 = tpu.memref_squeeze %dma_wait3A_359 : memref<8x1x1024xf32, #tpu.memory_space<hbm>> -> memref<8x1024xf32, #tpu.memory_space<hbm>>
        tpu.wait_dma2 semaphore(%arg26 : memref<!tpu.dma_semaphore, #tpu.memory_space<semaphore_mem>>) src(%arg10 : memref<8x1024xf32, #tpu.memory_space<vmem>>) dst(%dma_wait3A_360 : memref<8x1024xf32, #tpu.memory_space<hbm>>)
      } else {
      }
      %add3A_118 = arith.constant 4 : i32
      %add3A_119 = arith.addi %add3A_99, %add3A_118 : i32
      %lt3A_120 = arith.constant 64 : i32
      %lt3A_121 = arith.cmpi slt, %add3A_119, %lt3A_120 : i32
      %convert_element_type3A_122 = arith.extui %lt3A_121 : i1 to i32
      %cond3A_123 = arith.constant 0 : i32
      %cond3A_124 = arith.cmpi ne, %convert_element_type3A_122, %cond3A_123 : i32
      scf.if %cond3A_124 {
        %add3A_349 = arith.constant 4 : i32
        %add3A_350 = arith.addi %add3A_99, %add3A_349 : i32
        %mul3A_351 = arith.constant 8 : i32
        %mul3A_352 = arith.muli %add3A_350, %mul3A_351 : i32
        %multiple_of3A_353 = tpu.assume_multiple %mul3A_352, 8 : i32
        %dma_start3A_354 = tpu.memref_slice %arg5[%multiple_of3A_353] : memref<512xi32, #tpu.memory_space<vmem>> -> memref<8xi32, #tpu.memory_space<vmem>>
        %dma_start3A_355 = arith.constant 0 : i32
        %dma_start3A_356 = arith.constant 0 : i32
        %dma_start3A_357 = tpu.memref_slice %arg3[%dma_start3A_355, %dma_start3A_356] : memref<100000x1024xf32, #tpu.memory_space<hbm>> -> memref<100000x1024xf32, #tpu.memory_space<hbm>>
        tpu.enqueue_indirect_dma source(%dma_start3A_357 : memref<100000x1024xf32, #tpu.memory_space<hbm>>) target(%arg10 : memref<8x1024xf32, #tpu.memory_space<vmem>>) offsets(%dma_start3A_354 : memref<8xi32, #tpu.memory_space<vmem>>) semaphore(%arg18 : memref<!tpu.dma_semaphore, #tpu.memory_space<semaphore_mem>>)
      } else {
      }
      %mul3A_125 = arith.constant 8 : i32
      %mul3A_126 = arith.muli %scan3A_95, %mul3A_125 : i32
      %add3A_127 = arith.constant 1 : i32
      %add3A_128 = arith.addi %mul3A_126, %add3A_127 : i32
      %dma_wait3A_129 = arith.constant 0 : i32
      %dma_wait3A_130 = arith.constant 0 : i32
      %dma_wait3A_131 = tpu.memref_slice %arg3[%dma_wait3A_129, %dma_wait3A_130] : memref<100000x1024xf32, #tpu.memory_space<hbm>> -> memref<8x1024xf32, #tpu.memory_space<hbm>>
      %dma_wait3A_132 = arith.constant 0 : i32
      %dma_wait3A_133 = arith.constant 0 : i32
      %dma_wait3A_134 = tpu.memref_slice %arg3[%dma_wait3A_132, %dma_wait3A_133] : memref<100000x1024xf32, #tpu.memory_space<hbm>> -> memref<8x1024xf32, #tpu.memory_space<hbm>>
      tpu.wait_dma2 semaphore(%arg15 : memref<!tpu.dma_semaphore, #tpu.memory_space<semaphore_mem>>) src(%dma_wait3A_134 : memref<8x1024xf32, #tpu.memory_space<hbm>>) dst(%arg7 : memref<8x1024xf32, #tpu.memory_space<vmem>>)
      %mul3A_135 = arith.constant 8 : i32
      %mul3A_136 = arith.muli %add3A_128, %mul3A_135 : i32
      %multiple_of3A_137 = tpu.assume_multiple %mul3A_136, 8 : i32
      %add3A_138 = arith.addi %mul3A_32, %multiple_of3A_137 : i32
      %dma_start3A_139 = arith.constant 0 : i32
      %dma_start3A_140 = tpu.memref_slice %arg4[%add3A_138, %select_n3A, %dma_start3A_139] : memref<4096x4x1024xf32, #tpu.memory_space<hbm>> -> memref<8x1x1024xf32, #tpu.memory_space<hbm>>
      %dma_start3A_141 = tpu.memref_squeeze %dma_start3A_140 : memref<8x1x1024xf32, #tpu.memory_space<hbm>> -> memref<8x1024xf32, #tpu.memory_space<hbm>>
      %dma_start3A_142 = arith.constant 0 : i32
      %dma_start3A_143 = tpu.memref_slice %arg4[%add3A_138, %select_n3A, %dma_start3A_142] : memref<4096x4x1024xf32, #tpu.memory_space<hbm>> -> memref<8x1x1024xf32, #tpu.memory_space<hbm>>
      %dma_start3A_144 = tpu.memref_squeeze %dma_start3A_143 : memref<8x1x1024xf32, #tpu.memory_space<hbm>> -> memref<8x1024xf32, #tpu.memory_space<hbm>>
      tpu.enqueue_dma source(%arg7 : memref<8x1024xf32, #tpu.memory_space<vmem>>) target(%dma_start3A_144 : memref<8x1024xf32, #tpu.memory_space<hbm>>) target_semaphore(%arg23 : memref<!tpu.dma_semaphore, #tpu.memory_space<semaphore_mem>>)
      %ge3A_145 = arith.constant 4 : i32
      %ge3A_146 = arith.cmpi sge, %add3A_128, %ge3A_145 : i32
      %convert_element_type3A_147 = arith.extui %ge3A_146 : i1 to i32
      %cond3A_148 = arith.constant 0 : i32
      %cond3A_149 = arith.cmpi ne, %convert_element_type3A_147, %cond3A_148 : i32
      scf.if %cond3A_149 {
        %sub3A_349 = arith.constant 4 : i32
        %sub3A_350 = arith.subi %add3A_128, %sub3A_349 : i32
        %mul3A_351 = arith.constant 8 : i32
        %mul3A_352 = arith.muli %sub3A_350, %mul3A_351 : i32
        %multiple_of3A_353 = tpu.assume_multiple %mul3A_352, 8 : i32
        %add3A_354 = arith.addi %mul3A_32, %multiple_of3A_353 : i32
        %dma_wait3A_355 = arith.constant 0 : i32
        %dma_wait3A_356 = tpu.memref_slice %arg4[%add3A_354, %select_n3A, %dma_wait3A_355] : memref<4096x4x1024xf32, #tpu.memory_space<hbm>> -> memref<8x1x1024xf32, #tpu.memory_space<hbm>>
        %dma_wait3A_357 = tpu.memref_squeeze %dma_wait3A_356 : memref<8x1x1024xf32, #tpu.memory_space<hbm>> -> memref<8x1024xf32, #tpu.memory_space<hbm>>
        %dma_wait3A_358 = arith.constant 0 : i32
        %dma_wait3A_359 = tpu.memref_slice %arg4[%add3A_354, %select_n3A, %dma_wait3A_358] : memref<4096x4x1024xf32, #tpu.memory_space<hbm>> -> memref<8x1x1024xf32, #tpu.memory_space<hbm>>
        %dma_wait3A_360 = tpu.memref_squeeze %dma_wait3A_359 : memref<8x1x1024xf32, #tpu.memory_space<hbm>> -> memref<8x1024xf32, #tpu.memory_space<hbm>>
        tpu.wait_dma2 semaphore(%arg27 : memref<!tpu.dma_semaphore, #tpu.memory_space<semaphore_mem>>) src(%arg11 : memref<8x1024xf32, #tpu.memory_space<vmem>>) dst(%dma_wait3A_360 : memref<8x1024xf32, #tpu.memory_space<hbm>>)
      } else {
      }
      %add3A_150 = arith.constant 4 : i32
      %add3A_151 = arith.addi %add3A_128, %add3A_150 : i32
      %lt3A_152 = arith.constant 64 : i32
      %lt3A_153 = arith.cmpi slt, %add3A_151, %lt3A_152 : i32
      %convert_element_type3A_154 = arith.extui %lt3A_153 : i1 to i32
      %cond3A_155 = arith.constant 0 : i32
      %cond3A_156 = arith.cmpi ne, %convert_element_type3A_154, %cond3A_155 : i32
      scf.if %cond3A_156 {
        %add3A_349 = arith.constant 4 : i32
        %add3A_350 = arith.addi %add3A_128, %add3A_349 : i32
        %mul3A_351 = arith.constant 8 : i32
        %mul3A_352 = arith.muli %add3A_350, %mul3A_351 : i32
        %multiple_of3A_353 = tpu.assume_multiple %mul3A_352, 8 : i32
        %dma_start3A_354 = tpu.memref_slice %arg5[%multiple_of3A_353] : memref<512xi32, #tpu.memory_space<vmem>> -> memref<8xi32, #tpu.memory_space<vmem>>
        %dma_start3A_355 = arith.constant 0 : i32
        %dma_start3A_356 = arith.constant 0 : i32
        %dma_start3A_357 = tpu.memref_slice %arg3[%dma_start3A_355, %dma_start3A_356] : memref<100000x1024xf32, #tpu.memory_space<hbm>> -> memref<100000x1024xf32, #tpu.memory_space<hbm>>
        tpu.enqueue_indirect_dma source(%dma_start3A_357 : memref<100000x1024xf32, #tpu.memory_space<hbm>>) target(%arg11 : memref<8x1024xf32, #tpu.memory_space<vmem>>) offsets(%dma_start3A_354 : memref<8xi32, #tpu.memory_space<vmem>>) semaphore(%arg19 : memref<!tpu.dma_semaphore, #tpu.memory_space<semaphore_mem>>)
      } else {
      }
      %mul3A_157 = arith.constant 8 : i32
      %mul3A_158 = arith.muli %scan3A_95, %mul3A_157 : i32
      %add3A_159 = arith.constant 2 : i32
      %add3A_160 = arith.addi %mul3A_158, %add3A_159 : i32
      %dma_wait3A_161 = arith.constant 0 : i32
      %dma_wait3A_162 = arith.constant 0 : i32
      %dma_wait3A_163 = tpu.memref_slice %arg3[%dma_wait3A_161, %dma_wait3A_162] : memref<100000x1024xf32, #tpu.memory_space<hbm>> -> memref<8x1024xf32, #tpu.memory_space<hbm>>
      %dma_wait3A_164 = arith.constant 0 : i32
      %dma_wait3A_165 = arith.constant 0 : i32
      %dma_wait3A_166 = tpu.memref_slice %arg3[%dma_wait3A_164, %dma_wait3A_165] : memref<100000x1024xf32, #tpu.memory_space<hbm>> -> memref<8x1024xf32, #tpu.memory_space<hbm>>
      tpu.wait_dma2 semaphore(%arg16 : memref<!tpu.dma_semaphore, #tpu.memory_space<semaphore_mem>>) src(%dma_wait3A_166 : memref<8x1024xf32, #tpu.memory_space<hbm>>) dst(%arg8 : memref<8x1024xf32, #tpu.memory_space<vmem>>)
      %mul3A_167 = arith.constant 8 : i32
      %mul3A_168 = arith.muli %add3A_160, %mul3A_167 : i32
      %multiple_of3A_169 = tpu.assume_multiple %mul3A_168, 8 : i32
      %add3A_170 = arith.addi %mul3A_32, %multiple_of3A_169 : i32
      %dma_start3A_171 = arith.constant 0 : i32
      %dma_start3A_172 = tpu.memref_slice %arg4[%add3A_170, %select_n3A, %dma_start3A_171] : memref<4096x4x1024xf32, #tpu.memory_space<hbm>> -> memref<8x1x1024xf32, #tpu.memory_space<hbm>>
      %dma_start3A_173 = tpu.memref_squeeze %dma_start3A_172 : memref<8x1x1024xf32, #tpu.memory_space<hbm>> -> memref<8x1024xf32, #tpu.memory_space<hbm>>
      %dma_start3A_174 = arith.constant 0 : i32
      %dma_start3A_175 = tpu.memref_slice %arg4[%add3A_170, %select_n3A, %dma_start3A_174] : memref<4096x4x1024xf32, #tpu.memory_space<hbm>> -> memref<8x1x1024xf32, #tpu.memory_space<hbm>>
      %dma_start3A_176 = tpu.memref_squeeze %dma_start3A_175 : memref<8x1x1024xf32, #tpu.memory_space<hbm>> -> memref<8x1024xf32, #tpu.memory_space<hbm>>
      tpu.enqueue_dma source(%arg8 : memref<8x1024xf32, #tpu.memory_space<vmem>>) target(%dma_start3A_176 : memref<8x1024xf32, #tpu.memory_space<hbm>>) target_semaphore(%arg24 : memref<!tpu.dma_semaphore, #tpu.memory_space<semaphore_mem>>)
      %ge3A_177 = arith.constant 4 : i32
      %ge3A_178 = arith.cmpi sge, %add3A_160, %ge3A_177 : i32
      %convert_element_type3A_179 = arith.extui %ge3A_178 : i1 to i32
      %cond3A_180 = arith.constant 0 : i32
      %cond3A_181 = arith.cmpi ne, %convert_element_type3A_179, %cond3A_180 : i32
      scf.if %cond3A_181 {
        %sub3A_349 = arith.constant 4 : i32
        %sub3A_350 = arith.subi %add3A_160, %sub3A_349 : i32
        %mul3A_351 = arith.constant 8 : i32
        %mul3A_352 = arith.muli %sub3A_350, %mul3A_351 : i32
        %multiple_of3A_353 = tpu.assume_multiple %mul3A_352, 8 : i32
        %add3A_354 = arith.addi %mul3A_32, %multiple_of3A_353 : i32
        %dma_wait3A_355 = arith.constant 0 : i32
        %dma_wait3A_356 = tpu.memref_slice %arg4[%add3A_354, %select_n3A, %dma_wait3A_355] : memref<4096x4x1024xf32, #tpu.memory_space<hbm>> -> memref<8x1x1024xf32, #tpu.memory_space<hbm>>
        %dma_wait3A_357 = tpu.memref_squeeze %dma_wait3A_356 : memref<8x1x1024xf32, #tpu.memory_space<hbm>> -> memref<8x1024xf32, #tpu.memory_space<hbm>>
        %dma_wait3A_358 = arith.constant 0 : i32
        %dma_wait3A_359 = tpu.memref_slice %arg4[%add3A_354, %select_n3A, %dma_wait3A_358] : memref<4096x4x1024xf32, #tpu.memory_space<hbm>> -> memref<8x1x1024xf32, #tpu.memory_space<hbm>>
        %dma_wait3A_360 = tpu.memref_squeeze %dma_wait3A_359 : memref<8x1x1024xf32, #tpu.memory_space<hbm>> -> memref<8x1024xf32, #tpu.memory_space<hbm>>
        tpu.wait_dma2 semaphore(%arg28 : memref<!tpu.dma_semaphore, #tpu.memory_space<semaphore_mem>>) src(%arg12 : memref<8x1024xf32, #tpu.memory_space<vmem>>) dst(%dma_wait3A_360 : memref<8x1024xf32, #tpu.memory_space<hbm>>)
      } else {
      }
      %add3A_182 = arith.constant 4 : i32
      %add3A_183 = arith.addi %add3A_160, %add3A_182 : i32
      %lt3A_184 = arith.constant 64 : i32
      %lt3A_185 = arith.cmpi slt, %add3A_183, %lt3A_184 : i32
      %convert_element_type3A_186 = arith.extui %lt3A_185 : i1 to i32
      %cond3A_187 = arith.constant 0 : i32
      %cond3A_188 = arith.cmpi ne, %convert_element_type3A_186, %cond3A_187 : i32
      scf.if %cond3A_188 {
        %add3A_349 = arith.constant 4 : i32
        %add3A_350 = arith.addi %add3A_160, %add3A_349 : i32
        %mul3A_351 = arith.constant 8 : i32
        %mul3A_352 = arith.muli %add3A_350, %mul3A_351 : i32
        %multiple_of3A_353 = tpu.assume_multiple %mul3A_352, 8 : i32
        %dma_start3A_354 = tpu.memref_slice %arg5[%multiple_of3A_353] : memref<512xi32, #tpu.memory_space<vmem>> -> memref<8xi32, #tpu.memory_space<vmem>>
        %dma_start3A_355 = arith.constant 0 : i32
        %dma_start3A_356 = arith.constant 0 : i32
        %dma_start3A_357 = tpu.memref_slice %arg3[%dma_start3A_355, %dma_start3A_356] : memref<100000x1024xf32, #tpu.memory_space<hbm>> -> memref<100000x1024xf32, #tpu.memory_space<hbm>>
        tpu.enqueue_indirect_dma source(%dma_start3A_357 : memref<100000x1024xf32, #tpu.memory_space<hbm>>) target(%arg12 : memref<8x1024xf32, #tpu.memory_space<vmem>>) offsets(%dma_start3A_354 : memref<8xi32, #tpu.memory_space<vmem>>) semaphore(%arg20 : memref<!tpu.dma_semaphore, #tpu.memory_space<semaphore_mem>>)
      } else {
      }
      %mul3A_189 = arith.constant 8 : i32
      %mul3A_190 = arith.muli %scan3A_95, %mul3A_189 : i32
      %add3A_191 = arith.constant 3 : i32
      %add3A_192 = arith.addi %mul3A_190, %add3A_191 : i32
      %dma_wait3A_193 = arith.constant 0 : i32
      %dma_wait3A_194 = arith.constant 0 : i32
      %dma_wait3A_195 = tpu.memref_slice %arg3[%dma_wait3A_193, %dma_wait3A_194] : memref<100000x1024xf32, #tpu.memory_space<hbm>> -> memref<8x1024xf32, #tpu.memory_space<hbm>>
      %dma_wait3A_196 = arith.constant 0 : i32
      %dma_wait3A_197 = arith.constant 0 : i32
      %dma_wait3A_198 = tpu.memref_slice %arg3[%dma_wait3A_196, %dma_wait3A_197] : memref<100000x1024xf32, #tpu.memory_space<hbm>> -> memref<8x1024xf32, #tpu.memory_space<hbm>>
      tpu.wait_dma2 semaphore(%arg17 : memref<!tpu.dma_semaphore, #tpu.memory_space<semaphore_mem>>) src(%dma_wait3A_198 : memref<8x1024xf32, #tpu.memory_space<hbm>>) dst(%arg9 : memref<8x1024xf32, #tpu.memory_space<vmem>>)
      %mul3A_199 = arith.constant 8 : i32
      %mul3A_200 = arith.muli %add3A_192, %mul3A_199 : i32
      %multiple_of3A_201 = tpu.assume_multiple %mul3A_200, 8 : i32
      %add3A_202 = arith.addi %mul3A_32, %multiple_of3A_201 : i32
      %dma_start3A_203 = arith.constant 0 : i32
      %dma_start3A_204 = tpu.memref_slice %arg4[%add3A_202, %select_n3A, %dma_start3A_203] : memref<4096x4x1024xf32, #tpu.memory_space<hbm>> -> memref<8x1x1024xf32, #tpu.memory_space<hbm>>
      %dma_start3A_205 = tpu.memref_squeeze %dma_start3A_204 : memref<8x1x1024xf32, #tpu.memory_space<hbm>> -> memref<8x1024xf32, #tpu.memory_space<hbm>>
      %dma_start3A_206 = arith.constant 0 : i32
      %dma_start3A_207 = tpu.memref_slice %arg4[%add3A_202, %select_n3A, %dma_start3A_206] : memref<4096x4x1024xf32, #tpu.memory_space<hbm>> -> memref<8x1x1024xf32, #tpu.memory_space<hbm>>
      %dma_start3A_208 = tpu.memref_squeeze %dma_start3A_207 : memref<8x1x1024xf32, #tpu.memory_space<hbm>> -> memref<8x1024xf32, #tpu.memory_space<hbm>>
      tpu.enqueue_dma source(%arg9 : memref<8x1024xf32, #tpu.memory_space<vmem>>) target(%dma_start3A_208 : memref<8x1024xf32, #tpu.memory_space<hbm>>) target_semaphore(%arg25 : memref<!tpu.dma_semaphore, #tpu.memory_space<semaphore_mem>>)
      %ge3A_209 = arith.constant 4 : i32
      %ge3A_210 = arith.cmpi sge, %add3A_192, %ge3A_209 : i32
      %convert_element_type3A_211 = arith.extui %ge3A_210 : i1 to i32
      %cond3A_212 = arith.constant 0 : i32
      %cond3A_213 = arith.cmpi ne, %convert_element_type3A_211, %cond3A_212 : i32
      scf.if %cond3A_213 {
        %sub3A_349 = arith.constant 4 : i32
        %sub3A_350 = arith.subi %add3A_192, %sub3A_349 : i32
        %mul3A_351 = arith.constant 8 : i32
        %mul3A_352 = arith.muli %sub3A_350, %mul3A_351 : i32
        %multiple_of3A_353 = tpu.assume_multiple %mul3A_352, 8 : i32
        %add3A_354 = arith.addi %mul3A_32, %multiple_of3A_353 : i32
        %dma_wait3A_355 = arith.constant 0 : i32
        %dma_wait3A_356 = tpu.memref_slice %arg4[%add3A_354, %select_n3A, %dma_wait3A_355] : memref<4096x4x1024xf32, #tpu.memory_space<hbm>> -> memref<8x1x1024xf32, #tpu.memory_space<hbm>>
        %dma_wait3A_357 = tpu.memref_squeeze %dma_wait3A_356 : memref<8x1x1024xf32, #tpu.memory_space<hbm>> -> memref<8x1024xf32, #tpu.memory_space<hbm>>
        %dma_wait3A_358 = arith.constant 0 : i32
        %dma_wait3A_359 = tpu.memref_slice %arg4[%add3A_354, %select_n3A, %dma_wait3A_358] : memref<4096x4x1024xf32, #tpu.memory_space<hbm>> -> memref<8x1x1024xf32, #tpu.memory_space<hbm>>
        %dma_wait3A_360 = tpu.memref_squeeze %dma_wait3A_359 : memref<8x1x1024xf32, #tpu.memory_space<hbm>> -> memref<8x1024xf32, #tpu.memory_space<hbm>>
        tpu.wait_dma2 semaphore(%arg29 : memref<!tpu.dma_semaphore, #tpu.memory_space<semaphore_mem>>) src(%arg13 : memref<8x1024xf32, #tpu.memory_space<vmem>>) dst(%dma_wait3A_360 : memref<8x1024xf32, #tpu.memory_space<hbm>>)
      } else {
      }
      %add3A_214 = arith.constant 4 : i32
      %add3A_215 = arith.addi %add3A_192, %add3A_214 : i32
      %lt3A_216 = arith.constant 64 : i32
      %lt3A_217 = arith.cmpi slt, %add3A_215, %lt3A_216 : i32
      %convert_element_type3A_218 = arith.extui %lt3A_217 : i1 to i32
      %cond3A_219 = arith.constant 0 : i32
      %cond3A_220 = arith.cmpi ne, %convert_element_type3A_218, %cond3A_219 : i32
      scf.if %cond3A_220 {
        %add3A_349 = arith.constant 4 : i32
        %add3A_350 = arith.addi %add3A_192, %add3A_349 : i32
        %mul3A_351 = arith.constant 8 : i32
        %mul3A_352 = arith.muli %add3A_350, %mul3A_351 : i32
        %multiple_of3A_353 = tpu.assume_multiple %mul3A_352, 8 : i32
        %dma_start3A_354 = tpu.memref_slice %arg5[%multiple_of3A_353] : memref<512xi32, #tpu.memory_space<vmem>> -> memref<8xi32, #tpu.memory_space<vmem>>
        %dma_start3A_355 = arith.constant 0 : i32
        %dma_start3A_356 = arith.constant 0 : i32
        %dma_start3A_357 = tpu.memref_slice %arg3[%dma_start3A_355, %dma_start3A_356] : memref<100000x1024xf32, #tpu.memory_space<hbm>> -> memref<100000x1024xf32, #tpu.memory_space<hbm>>
        tpu.enqueue_indirect_dma source(%dma_start3A_357 : memref<100000x1024xf32, #tpu.memory_space<hbm>>) target(%arg13 : memref<8x1024xf32, #tpu.memory_space<vmem>>) offsets(%dma_start3A_354 : memref<8xi32, #tpu.memory_space<vmem>>) semaphore(%arg21 : memref<!tpu.dma_semaphore, #tpu.memory_space<semaphore_mem>>)
      } else {
      }
      %mul3A_221 = arith.constant 8 : i32
      %mul3A_222 = arith.muli %scan3A_95, %mul3A_221 : i32
      %add3A_223 = arith.constant 4 : i32
      %add3A_224 = arith.addi %mul3A_222, %add3A_223 : i32
      %dma_wait3A_225 = arith.constant 0 : i32
      %dma_wait3A_226 = arith.constant 0 : i32
      %dma_wait3A_227 = tpu.memref_slice %arg3[%dma_wait3A_225, %dma_wait3A_226] : memref<100000x1024xf32, #tpu.memory_space<hbm>> -> memref<8x1024xf32, #tpu.memory_space<hbm>>
      %dma_wait3A_228 = arith.constant 0 : i32
      %dma_wait3A_229 = arith.constant 0 : i32
      %dma_wait3A_230 = tpu.memref_slice %arg3[%dma_wait3A_228, %dma_wait3A_229] : memref<100000x1024xf32, #tpu.memory_space<hbm>> -> memref<8x1024xf32, #tpu.memory_space<hbm>>
      tpu.wait_dma2 semaphore(%arg18 : memref<!tpu.dma_semaphore, #tpu.memory_space<semaphore_mem>>) src(%dma_wait3A_230 : memref<8x1024xf32, #tpu.memory_space<hbm>>) dst(%arg10 : memref<8x1024xf32, #tpu.memory_space<vmem>>)
      %mul3A_231 = arith.constant 8 : i32
      %mul3A_232 = arith.muli %add3A_224, %mul3A_231 : i32
      %multiple_of3A_233 = tpu.assume_multiple %mul3A_232, 8 : i32
      %add3A_234 = arith.addi %mul3A_32, %multiple_of3A_233 : i32
      %dma_start3A_235 = arith.constant 0 : i32
      %dma_start3A_236 = tpu.memref_slice %arg4[%add3A_234, %select_n3A, %dma_start3A_235] : memref<4096x4x1024xf32, #tpu.memory_space<hbm>> -> memref<8x1x1024xf32, #tpu.memory_space<hbm>>
      %dma_start3A_237 = tpu.memref_squeeze %dma_start3A_236 : memref<8x1x1024xf32, #tpu.memory_space<hbm>> -> memref<8x1024xf32, #tpu.memory_space<hbm>>
      %dma_start3A_238 = arith.constant 0 : i32
      %dma_start3A_239 = tpu.memref_slice %arg4[%add3A_234, %select_n3A, %dma_start3A_238] : memref<4096x4x1024xf32, #tpu.memory_space<hbm>> -> memref<8x1x1024xf32, #tpu.memory_space<hbm>>
      %dma_start3A_240 = tpu.memref_squeeze %dma_start3A_239 : memref<8x1x1024xf32, #tpu.memory_space<hbm>> -> memref<8x1024xf32, #tpu.memory_space<hbm>>
      tpu.enqueue_dma source(%arg10 : memref<8x1024xf32, #tpu.memory_space<vmem>>) target(%dma_start3A_240 : memref<8x1024xf32, #tpu.memory_space<hbm>>) target_semaphore(%arg26 : memref<!tpu.dma_semaphore, #tpu.memory_space<semaphore_mem>>)
      %ge3A_241 = arith.constant 4 : i32
      %ge3A_242 = arith.cmpi sge, %add3A_224, %ge3A_241 : i32
      %convert_element_type3A_243 = arith.extui %ge3A_242 : i1 to i32
      %cond3A_244 = arith.constant 0 : i32
      %cond3A_245 = arith.cmpi ne, %convert_element_type3A_243, %cond3A_244 : i32
      scf.if %cond3A_245 {
        %sub3A_349 = arith.constant 4 : i32
        %sub3A_350 = arith.subi %add3A_224, %sub3A_349 : i32
        %mul3A_351 = arith.constant 8 : i32
        %mul3A_352 = arith.muli %sub3A_350, %mul3A_351 : i32
        %multiple_of3A_353 = tpu.assume_multiple %mul3A_352, 8 : i32
        %add3A_354 = arith.addi %mul3A_32, %multiple_of3A_353 : i32
        %dma_wait3A_355 = arith.constant 0 : i32
        %dma_wait3A_356 = tpu.memref_slice %arg4[%add3A_354, %select_n3A, %dma_wait3A_355] : memref<4096x4x1024xf32, #tpu.memory_space<hbm>> -> memref<8x1x1024xf32, #tpu.memory_space<hbm>>
        %dma_wait3A_357 = tpu.memref_squeeze %dma_wait3A_356 : memref<8x1x1024xf32, #tpu.memory_space<hbm>> -> memref<8x1024xf32, #tpu.memory_space<hbm>>
        %dma_wait3A_358 = arith.constant 0 : i32
        %dma_wait3A_359 = tpu.memref_slice %arg4[%add3A_354, %select_n3A, %dma_wait3A_358] : memref<4096x4x1024xf32, #tpu.memory_space<hbm>> -> memref<8x1x1024xf32, #tpu.memory_space<hbm>>
        %dma_wait3A_360 = tpu.memref_squeeze %dma_wait3A_359 : memref<8x1x1024xf32, #tpu.memory_space<hbm>> -> memref<8x1024xf32, #tpu.memory_space<hbm>>
        tpu.wait_dma2 semaphore(%arg22 : memref<!tpu.dma_semaphore, #tpu.memory_space<semaphore_mem>>) src(%arg6 : memref<8x1024xf32, #tpu.memory_space<vmem>>) dst(%dma_wait3A_360 : memref<8x1024xf32, #tpu.memory_space<hbm>>)
      } else {
      }
      %add3A_246 = arith.constant 4 : i32
      %add3A_247 = arith.addi %add3A_224, %add3A_246 : i32
      %lt3A_248 = arith.constant 64 : i32
      %lt3A_249 = arith.cmpi slt, %add3A_247, %lt3A_248 : i32
      %convert_element_type3A_250 = arith.extui %lt3A_249 : i1 to i32
      %cond3A_251 = arith.constant 0 : i32
      %cond3A_252 = arith.cmpi ne, %convert_element_type3A_250, %cond3A_251 : i32
      scf.if %cond3A_252 {
        %add3A_349 = arith.constant 4 : i32
        %add3A_350 = arith.addi %add3A_224, %add3A_349 : i32
        %mul3A_351 = arith.constant 8 : i32
        %mul3A_352 = arith.muli %add3A_350, %mul3A_351 : i32
        %multiple_of3A_353 = tpu.assume_multiple %mul3A_352, 8 : i32
        %dma_start3A_354 = tpu.memref_slice %arg5[%multiple_of3A_353] : memref<512xi32, #tpu.memory_space<vmem>> -> memref<8xi32, #tpu.memory_space<vmem>>
        %dma_start3A_355 = arith.constant 0 : i32
        %dma_start3A_356 = arith.constant 0 : i32
        %dma_start3A_357 = tpu.memref_slice %arg3[%dma_start3A_355, %dma_start3A_356] : memref<100000x1024xf32, #tpu.memory_space<hbm>> -> memref<100000x1024xf32, #tpu.memory_space<hbm>>
        tpu.enqueue_indirect_dma source(%dma_start3A_357 : memref<100000x1024xf32, #tpu.memory_space<hbm>>) target(%arg6 : memref<8x1024xf32, #tpu.memory_space<vmem>>) offsets(%dma_start3A_354 : memref<8xi32, #tpu.memory_space<vmem>>) semaphore(%arg14 : memref<!tpu.dma_semaphore, #tpu.memory_space<semaphore_mem>>)
      } else {
      }
      %mul3A_253 = arith.constant 8 : i32
      %mul3A_254 = arith.muli %scan3A_95, %mul3A_253 : i32
      %add3A_255 = arith.constant 5 : i32
      %add3A_256 = arith.addi %mul3A_254, %add3A_255 : i32
      %dma_wait3A_257 = arith.constant 0 : i32
      %dma_wait3A_258 = arith.constant 0 : i32
      %dma_wait3A_259 = tpu.memref_slice %arg3[%dma_wait3A_257, %dma_wait3A_258] : memref<100000x1024xf32, #tpu.memory_space<hbm>> -> memref<8x1024xf32, #tpu.memory_space<hbm>>
      %dma_wait3A_260 = arith.constant 0 : i32
      %dma_wait3A_261 = arith.constant 0 : i32
      %dma_wait3A_262 = tpu.memref_slice %arg3[%dma_wait3A_260, %dma_wait3A_261] : memref<100000x1024xf32, #tpu.memory_space<hbm>> -> memref<8x1024xf32, #tpu.memory_space<hbm>>
      tpu.wait_dma2 semaphore(%arg19 : memref<!tpu.dma_semaphore, #tpu.memory_space<semaphore_mem>>) src(%dma_wait3A_262 : memref<8x1024xf32, #tpu.memory_space<hbm>>) dst(%arg11 : memref<8x1024xf32, #tpu.memory_space<vmem>>)
      %mul3A_263 = arith.constant 8 : i32
      %mul3A_264 = arith.muli %add3A_256, %mul3A_263 : i32
      %multiple_of3A_265 = tpu.assume_multiple %mul3A_264, 8 : i32
      %add3A_266 = arith.addi %mul3A_32, %multiple_of3A_265 : i32
      %dma_start3A_267 = arith.constant 0 : i32
      %dma_start3A_268 = tpu.memref_slice %arg4[%add3A_266, %select_n3A, %dma_start3A_267] : memref<4096x4x1024xf32, #tpu.memory_space<hbm>> -> memref<8x1x1024xf32, #tpu.memory_space<hbm>>
      %dma_start3A_269 = tpu.memref_squeeze %dma_start3A_268 : memref<8x1x1024xf32, #tpu.memory_space<hbm>> -> memref<8x1024xf32, #tpu.memory_space<hbm>>
      %dma_start3A_270 = arith.constant 0 : i32
      %dma_start3A_271 = tpu.memref_slice %arg4[%add3A_266, %select_n3A, %dma_start3A_270] : memref<4096x4x1024xf32, #tpu.memory_space<hbm>> -> memref<8x1x1024xf32, #tpu.memory_space<hbm>>
      %dma_start3A_272 = tpu.memref_squeeze %dma_start3A_271 : memref<8x1x1024xf32, #tpu.memory_space<hbm>> -> memref<8x1024xf32, #tpu.memory_space<hbm>>
      tpu.enqueue_dma source(%arg11 : memref<8x1024xf32, #tpu.memory_space<vmem>>) target(%dma_start3A_272 : memref<8x1024xf32, #tpu.memory_space<hbm>>) target_semaphore(%arg27 : memref<!tpu.dma_semaphore, #tpu.memory_space<semaphore_mem>>)
      %ge3A_273 = arith.constant 4 : i32
      %ge3A_274 = arith.cmpi sge, %add3A_256, %ge3A_273 : i32
      %convert_element_type3A_275 = arith.extui %ge3A_274 : i1 to i32
      %cond3A_276 = arith.constant 0 : i32
      %cond3A_277 = arith.cmpi ne, %convert_element_type3A_275, %cond3A_276 : i32
      scf.if %cond3A_277 {
        %sub3A_349 = arith.constant 4 : i32
        %sub3A_350 = arith.subi %add3A_256, %sub3A_349 : i32
        %mul3A_351 = arith.constant 8 : i32
        %mul3A_352 = arith.muli %sub3A_350, %mul3A_351 : i32
        %multiple_of3A_353 = tpu.assume_multiple %mul3A_352, 8 : i32
        %add3A_354 = arith.addi %mul3A_32, %multiple_of3A_353 : i32
        %dma_wait3A_355 = arith.constant 0 : i32
        %dma_wait3A_356 = tpu.memref_slice %arg4[%add3A_354, %select_n3A, %dma_wait3A_355] : memref<4096x4x1024xf32, #tpu.memory_space<hbm>> -> memref<8x1x1024xf32, #tpu.memory_space<hbm>>
        %dma_wait3A_357 = tpu.memref_squeeze %dma_wait3A_356 : memref<8x1x1024xf32, #tpu.memory_space<hbm>> -> memref<8x1024xf32, #tpu.memory_space<hbm>>
        %dma_wait3A_358 = arith.constant 0 : i32
        %dma_wait3A_359 = tpu.memref_slice %arg4[%add3A_354, %select_n3A, %dma_wait3A_358] : memref<4096x4x1024xf32, #tpu.memory_space<hbm>> -> memref<8x1x1024xf32, #tpu.memory_space<hbm>>
        %dma_wait3A_360 = tpu.memref_squeeze %dma_wait3A_359 : memref<8x1x1024xf32, #tpu.memory_space<hbm>> -> memref<8x1024xf32, #tpu.memory_space<hbm>>
        tpu.wait_dma2 semaphore(%arg23 : memref<!tpu.dma_semaphore, #tpu.memory_space<semaphore_mem>>) src(%arg7 : memref<8x1024xf32, #tpu.memory_space<vmem>>) dst(%dma_wait3A_360 : memref<8x1024xf32, #tpu.memory_space<hbm>>)
      } else {
      }
      %add3A_278 = arith.constant 4 : i32
      %add3A_279 = arith.addi %add3A_256, %add3A_278 : i32
      %lt3A_280 = arith.constant 64 : i32
      %lt3A_281 = arith.cmpi slt, %add3A_279, %lt3A_280 : i32
      %convert_element_type3A_282 = arith.extui %lt3A_281 : i1 to i32
      %cond3A_283 = arith.constant 0 : i32
      %cond3A_284 = arith.cmpi ne, %convert_element_type3A_282, %cond3A_283 : i32
      scf.if %cond3A_284 {
        %add3A_349 = arith.constant 4 : i32
        %add3A_350 = arith.addi %add3A_256, %add3A_349 : i32
        %mul3A_351 = arith.constant 8 : i32
        %mul3A_352 = arith.muli %add3A_350, %mul3A_351 : i32
        %multiple_of3A_353 = tpu.assume_multiple %mul3A_352, 8 : i32
        %dma_start3A_354 = tpu.memref_slice %arg5[%multiple_of3A_353] : memref<512xi32, #tpu.memory_space<vmem>> -> memref<8xi32, #tpu.memory_space<vmem>>
        %dma_start3A_355 = arith.constant 0 : i32
        %dma_start3A_356 = arith.constant 0 : i32
        %dma_start3A_357 = tpu.memref_slice %arg3[%dma_start3A_355, %dma_start3A_356] : memref<100000x1024xf32, #tpu.memory_space<hbm>> -> memref<100000x1024xf32, #tpu.memory_space<hbm>>
        tpu.enqueue_indirect_dma source(%dma_start3A_357 : memref<100000x1024xf32, #tpu.memory_space<hbm>>) target(%arg7 : memref<8x1024xf32, #tpu.memory_space<vmem>>) offsets(%dma_start3A_354 : memref<8xi32, #tpu.memory_space<vmem>>) semaphore(%arg15 : memref<!tpu.dma_semaphore, #tpu.memory_space<semaphore_mem>>)
      } else {
      }
      %mul3A_285 = arith.constant 8 : i32
      %mul3A_286 = arith.muli %scan3A_95, %mul3A_285 : i32
      %add3A_287 = arith.constant 6 : i32
      %add3A_288 = arith.addi %mul3A_286, %add3A_287 : i32
      %dma_wait3A_289 = arith.constant 0 : i32
      %dma_wait3A_290 = arith.constant 0 : i32
      %dma_wait3A_291 = tpu.memref_slice %arg3[%dma_wait3A_289, %dma_wait3A_290] : memref<100000x1024xf32, #tpu.memory_space<hbm>> -> memref<8x1024xf32, #tpu.memory_space<hbm>>
      %dma_wait3A_292 = arith.constant 0 : i32
      %dma_wait3A_293 = arith.constant 0 : i32
      %dma_wait3A_294 = tpu.memref_slice %arg3[%dma_wait3A_292, %dma_wait3A_293] : memref<100000x1024xf32, #tpu.memory_space<hbm>> -> memref<8x1024xf32, #tpu.memory_space<hbm>>
      tpu.wait_dma2 semaphore(%arg20 : memref<!tpu.dma_semaphore, #tpu.memory_space<semaphore_mem>>) src(%dma_wait3A_294 : memref<8x1024xf32, #tpu.memory_space<hbm>>) dst(%arg12 : memref<8x1024xf32, #tpu.memory_space<vmem>>)
      %mul3A_295 = arith.constant 8 : i32
      %mul3A_296 = arith.muli %add3A_288, %mul3A_295 : i32
      %multiple_of3A_297 = tpu.assume_multiple %mul3A_296, 8 : i32
      %add3A_298 = arith.addi %mul3A_32, %multiple_of3A_297 : i32
      %dma_start3A_299 = arith.constant 0 : i32
      %dma_start3A_300 = tpu.memref_slice %arg4[%add3A_298, %select_n3A, %dma_start3A_299] : memref<4096x4x1024xf32, #tpu.memory_space<hbm>> -> memref<8x1x1024xf32, #tpu.memory_space<hbm>>
      %dma_start3A_301 = tpu.memref_squeeze %dma_start3A_300 : memref<8x1x1024xf32, #tpu.memory_space<hbm>> -> memref<8x1024xf32, #tpu.memory_space<hbm>>
      %dma_start3A_302 = arith.constant 0 : i32
      %dma_start3A_303 = tpu.memref_slice %arg4[%add3A_298, %select_n3A, %dma_start3A_302] : memref<4096x4x1024xf32, #tpu.memory_space<hbm>> -> memref<8x1x1024xf32, #tpu.memory_space<hbm>>
      %dma_start3A_304 = tpu.memref_squeeze %dma_start3A_303 : memref<8x1x1024xf32, #tpu.memory_space<hbm>> -> memref<8x1024xf32, #tpu.memory_space<hbm>>
      tpu.enqueue_dma source(%arg12 : memref<8x1024xf32, #tpu.memory_space<vmem>>) target(%dma_start3A_304 : memref<8x1024xf32, #tpu.memory_space<hbm>>) target_semaphore(%arg28 : memref<!tpu.dma_semaphore, #tpu.memory_space<semaphore_mem>>)
      %ge3A_305 = arith.constant 4 : i32
      %ge3A_306 = arith.cmpi sge, %add3A_288, %ge3A_305 : i32
      %convert_element_type3A_307 = arith.extui %ge3A_306 : i1 to i32
      %cond3A_308 = arith.constant 0 : i32
      %cond3A_309 = arith.cmpi ne, %convert_element_type3A_307, %cond3A_308 : i32
      scf.if %cond3A_309 {
        %sub3A_349 = arith.constant 4 : i32
        %sub3A_350 = arith.subi %add3A_288, %sub3A_349 : i32
        %mul3A_351 = arith.constant 8 : i32
        %mul3A_352 = arith.muli %sub3A_350, %mul3A_351 : i32
        %multiple_of3A_353 = tpu.assume_multiple %mul3A_352, 8 : i32
        %add3A_354 = arith.addi %mul3A_32, %multiple_of3A_353 : i32
        %dma_wait3A_355 = arith.constant 0 : i32
        %dma_wait3A_356 = tpu.memref_slice %arg4[%add3A_354, %select_n3A, %dma_wait3A_355] : memref<4096x4x1024xf32, #tpu.memory_space<hbm>> -> memref<8x1x1024xf32, #tpu.memory_space<hbm>>
        %dma_wait3A_357 = tpu.memref_squeeze %dma_wait3A_356 : memref<8x1x1024xf32, #tpu.memory_space<hbm>> -> memref<8x1024xf32, #tpu.memory_space<hbm>>
        %dma_wait3A_358 = arith.constant 0 : i32
        %dma_wait3A_359 = tpu.memref_slice %arg4[%add3A_354, %select_n3A, %dma_wait3A_358] : memref<4096x4x1024xf32, #tpu.memory_space<hbm>> -> memref<8x1x1024xf32, #tpu.memory_space<hbm>>
        %dma_wait3A_360 = tpu.memref_squeeze %dma_wait3A_359 : memref<8x1x1024xf32, #tpu.memory_space<hbm>> -> memref<8x1024xf32, #tpu.memory_space<hbm>>
        tpu.wait_dma2 semaphore(%arg24 : memref<!tpu.dma_semaphore, #tpu.memory_space<semaphore_mem>>) src(%arg8 : memref<8x1024xf32, #tpu.memory_space<vmem>>) dst(%dma_wait3A_360 : memref<8x1024xf32, #tpu.memory_space<hbm>>)
      } else {
      }
      %add3A_310 = arith.constant 4 : i32
      %add3A_311 = arith.addi %add3A_288, %add3A_310 : i32
      %lt3A_312 = arith.constant 64 : i32
      %lt3A_313 = arith.cmpi slt, %add3A_311, %lt3A_312 : i32
      %convert_element_type3A_314 = arith.extui %lt3A_313 : i1 to i32
      %cond3A_315 = arith.constant 0 : i32
      %cond3A_316 = arith.cmpi ne, %convert_element_type3A_314, %cond3A_315 : i32
      scf.if %cond3A_316 {
        %add3A_349 = arith.constant 4 : i32
        %add3A_350 = arith.addi %add3A_288, %add3A_349 : i32
        %mul3A_351 = arith.constant 8 : i32
        %mul3A_352 = arith.muli %add3A_350, %mul3A_351 : i32
        %multiple_of3A_353 = tpu.assume_multiple %mul3A_352, 8 : i32
        %dma_start3A_354 = tpu.memref_slice %arg5[%multiple_of3A_353] : memref<512xi32, #tpu.memory_space<vmem>> -> memref<8xi32, #tpu.memory_space<vmem>>
        %dma_start3A_355 = arith.constant 0 : i32
        %dma_start3A_356 = arith.constant 0 : i32
        %dma_start3A_357 = tpu.memref_slice %arg3[%dma_start3A_355, %dma_start3A_356] : memref<100000x1024xf32, #tpu.memory_space<hbm>> -> memref<100000x1024xf32, #tpu.memory_space<hbm>>
        tpu.enqueue_indirect_dma source(%dma_start3A_357 : memref<100000x1024xf32, #tpu.memory_space<hbm>>) target(%arg8 : memref<8x1024xf32, #tpu.memory_space<vmem>>) offsets(%dma_start3A_354 : memref<8xi32, #tpu.memory_space<vmem>>) semaphore(%arg16 : memref<!tpu.dma_semaphore, #tpu.memory_space<semaphore_mem>>)
      } else {
      }
      %mul3A_317 = arith.constant 8 : i32
      %mul3A_318 = arith.muli %scan3A_95, %mul3A_317 : i32
      %add3A_319 = arith.constant 7 : i32
      %add3A_320 = arith.addi %mul3A_318, %add3A_319 : i32
      %dma_wait3A_321 = arith.constant 0 : i32
      %dma_wait3A_322 = arith.constant 0 : i32
      %dma_wait3A_323 = tpu.memref_slice %arg3[%dma_wait3A_321, %dma_wait3A_322] : memref<100000x1024xf32, #tpu.memory_space<hbm>> -> memref<8x1024xf32, #tpu.memory_space<hbm>>
      %dma_wait3A_324 = arith.constant 0 : i32
      %dma_wait3A_325 = arith.constant 0 : i32
      %dma_wait3A_326 = tpu.memref_slice %arg3[%dma_wait3A_324, %dma_wait3A_325] : memref<100000x1024xf32, #tpu.memory_space<hbm>> -> memref<8x1024xf32, #tpu.memory_space<hbm>>
      tpu.wait_dma2 semaphore(%arg21 : memref<!tpu.dma_semaphore, #tpu.memory_space<semaphore_mem>>) src(%dma_wait3A_326 : memref<8x1024xf32, #tpu.memory_space<hbm>>) dst(%arg13 : memref<8x1024xf32, #tpu.memory_space<vmem>>)
      %mul3A_327 = arith.constant 8 : i32
      %mul3A_328 = arith.muli %add3A_320, %mul3A_327 : i32
      %multiple_of3A_329 = tpu.assume_multiple %mul3A_328, 8 : i32
      %add3A_330 = arith.addi %mul3A_32, %multiple_of3A_329 : i32
      %dma_start3A_331 = arith.constant 0 : i32
      %dma_start3A_332 = tpu.memref_slice %arg4[%add3A_330, %select_n3A, %dma_start3A_331] : memref<4096x4x1024xf32, #tpu.memory_space<hbm>> -> memref<8x1x1024xf32, #tpu.memory_space<hbm>>
      %dma_start3A_333 = tpu.memref_squeeze %dma_start3A_332 : memref<8x1x1024xf32, #tpu.memory_space<hbm>> -> memref<8x1024xf32, #tpu.memory_space<hbm>>
      %dma_start3A_334 = arith.constant 0 : i32
      %dma_start3A_335 = tpu.memref_slice %arg4[%add3A_330, %select_n3A, %dma_start3A_334] : memref<4096x4x1024xf32, #tpu.memory_space<hbm>> -> memref<8x1x1024xf32, #tpu.memory_space<hbm>>
      %dma_start3A_336 = tpu.memref_squeeze %dma_start3A_335 : memref<8x1x1024xf32, #tpu.memory_space<hbm>> -> memref<8x1024xf32, #tpu.memory_space<hbm>>
      tpu.enqueue_dma source(%arg13 : memref<8x1024xf32, #tpu.memory_space<vmem>>) target(%dma_start3A_336 : memref<8x1024xf32, #tpu.memory_space<hbm>>) target_semaphore(%arg29 : memref<!tpu.dma_semaphore, #tpu.memory_space<semaphore_mem>>)
      %ge3A_337 = arith.constant 4 : i32
      %ge3A_338 = arith.cmpi sge, %add3A_320, %ge3A_337 : i32
      %convert_element_type3A_339 = arith.extui %ge3A_338 : i1 to i32
      %cond3A_340 = arith.constant 0 : i32
      %cond3A_341 = arith.cmpi ne, %convert_element_type3A_339, %cond3A_340 : i32
      scf.if %cond3A_341 {
        %sub3A_349 = arith.constant 4 : i32
        %sub3A_350 = arith.subi %add3A_320, %sub3A_349 : i32
        %mul3A_351 = arith.constant 8 : i32
        %mul3A_352 = arith.muli %sub3A_350, %mul3A_351 : i32
        %multiple_of3A_353 = tpu.assume_multiple %mul3A_352, 8 : i32
        %add3A_354 = arith.addi %mul3A_32, %multiple_of3A_353 : i32
        %dma_wait3A_355 = arith.constant 0 : i32
        %dma_wait3A_356 = tpu.memref_slice %arg4[%add3A_354, %select_n3A, %dma_wait3A_355] : memref<4096x4x1024xf32, #tpu.memory_space<hbm>> -> memref<8x1x1024xf32, #tpu.memory_space<hbm>>
        %dma_wait3A_357 = tpu.memref_squeeze %dma_wait3A_356 : memref<8x1x1024xf32, #tpu.memory_space<hbm>> -> memref<8x1024xf32, #tpu.memory_space<hbm>>
        %dma_wait3A_358 = arith.constant 0 : i32
        %dma_wait3A_359 = tpu.memref_slice %arg4[%add3A_354, %select_n3A, %dma_wait3A_358] : memref<4096x4x1024xf32, #tpu.memory_space<hbm>> -> memref<8x1x1024xf32, #tpu.memory_space<hbm>>
        %dma_wait3A_360 = tpu.memref_squeeze %dma_wait3A_359 : memref<8x1x1024xf32, #tpu.memory_space<hbm>> -> memref<8x1024xf32, #tpu.memory_space<hbm>>
        tpu.wait_dma2 semaphore(%arg25 : memref<!tpu.dma_semaphore, #tpu.memory_space<semaphore_mem>>) src(%arg9 : memref<8x1024xf32, #tpu.memory_space<vmem>>) dst(%dma_wait3A_360 : memref<8x1024xf32, #tpu.memory_space<hbm>>)
      } else {
      }
      %add3A_342 = arith.constant 4 : i32
      %add3A_343 = arith.addi %add3A_320, %add3A_342 : i32
      %lt3A_344 = arith.constant 64 : i32
      %lt3A_345 = arith.cmpi slt, %add3A_343, %lt3A_344 : i32
      %convert_element_type3A_346 = arith.extui %lt3A_345 : i1 to i32
      %cond3A_347 = arith.constant 0 : i32
      %cond3A_348 = arith.cmpi ne, %convert_element_type3A_346, %cond3A_347 : i32
      scf.if %cond3A_348 {
        %add3A_349 = arith.constant 4 : i32
        %add3A_350 = arith.addi %add3A_320, %add3A_349 : i32
        %mul3A_351 = arith.constant 8 : i32
        %mul3A_352 = arith.muli %add3A_350, %mul3A_351 : i32
        %multiple_of3A_353 = tpu.assume_multiple %mul3A_352, 8 : i32
        %dma_start3A_354 = tpu.memref_slice %arg5[%multiple_of3A_353] : memref<512xi32, #tpu.memory_space<vmem>> -> memref<8xi32, #tpu.memory_space<vmem>>
        %dma_start3A_355 = arith.constant 0 : i32
        %dma_start3A_356 = arith.constant 0 : i32
        %dma_start3A_357 = tpu.memref_slice %arg3[%dma_start3A_355, %dma_start3A_356] : memref<100000x1024xf32, #tpu.memory_space<hbm>> -> memref<100000x1024xf32, #tpu.memory_space<hbm>>
        tpu.enqueue_indirect_dma source(%dma_start3A_357 : memref<100000x1024xf32, #tpu.memory_space<hbm>>) target(%arg9 : memref<8x1024xf32, #tpu.memory_space<vmem>>) offsets(%dma_start3A_354 : memref<8xi32, #tpu.memory_space<vmem>>) semaphore(%arg17 : memref<!tpu.dma_semaphore, #tpu.memory_space<semaphore_mem>>)
      } else {
      }
    }
    %scan3A_59 = arith.constant 8 : i32
    %multiple_of3A_60 = arith.constant 480 : i32
    %multiple_of3A_61 = tpu.assume_multiple %multiple_of3A_60, 8 : i32
    %add3A_62 = arith.addi %mul3A_32, %multiple_of3A_61 : i32
    %dma_wait3A = arith.constant 0 : i32
    %dma_wait3A_63 = tpu.memref_slice %arg4[%add3A_62, %select_n3A, %dma_wait3A] : memref<4096x4x1024xf32, #tpu.memory_space<hbm>> -> memref<8x1x1024xf32, #tpu.memory_space<hbm>>
    %dma_wait3A_64 = tpu.memref_squeeze %dma_wait3A_63 : memref<8x1x1024xf32, #tpu.memory_space<hbm>> -> memref<8x1024xf32, #tpu.memory_space<hbm>>
    %dma_wait3A_65 = arith.constant 0 : i32
    %dma_wait3A_66 = tpu.memref_slice %arg4[%add3A_62, %select_n3A, %dma_wait3A_65] : memref<4096x4x1024xf32, #tpu.memory_space<hbm>> -> memref<8x1x1024xf32, #tpu.memory_space<hbm>>
    %dma_wait3A_67 = tpu.memref_squeeze %dma_wait3A_66 : memref<8x1x1024xf32, #tpu.memory_space<hbm>> -> memref<8x1024xf32, #tpu.memory_space<hbm>>
    tpu.wait_dma2 semaphore(%arg26 : memref<!tpu.dma_semaphore, #tpu.memory_space<semaphore_mem>>) src(%arg10 : memref<8x1024xf32, #tpu.memory_space<vmem>>) dst(%dma_wait3A_67 : memref<8x1024xf32, #tpu.memory_space<hbm>>)
    %multiple_of3A_68 = arith.constant 488 : i32
    %multiple_of3A_69 = tpu.assume_multiple %multiple_of3A_68, 8 : i32
    %add3A_70 = arith.addi %mul3A_32, %multiple_of3A_69 : i32
    %dma_wait3A_71 = arith.constant 0 : i32
    %dma_wait3A_72 = tpu.memref_slice %arg4[%add3A_70, %select_n3A, %dma_wait3A_71] : memref<4096x4x1024xf32, #tpu.memory_space<hbm>> -> memref<8x1x1024xf32, #tpu.memory_space<hbm>>
    %dma_wait3A_73 = tpu.memref_squeeze %dma_wait3A_72 : memref<8x1x1024xf32, #tpu.memory_space<hbm>> -> memref<8x1024xf32, #tpu.memory_space<hbm>>
    %dma_wait3A_74 = arith.constant 0 : i32
    %dma_wait3A_75 = tpu.memref_slice %arg4[%add3A_70, %select_n3A, %dma_wait3A_74] : memref<4096x4x1024xf32, #tpu.memory_space<hbm>> -> memref<8x1x1024xf32, #tpu.memory_space<hbm>>
    %dma_wait3A_76 = tpu.memref_squeeze %dma_wait3A_75 : memref<8x1x1024xf32, #tpu.memory_space<hbm>> -> memref<8x1024xf32, #tpu.memory_space<hbm>>
    tpu.wait_dma2 semaphore(%arg27 : memref<!tpu.dma_semaphore, #tpu.memory_space<semaphore_mem>>) src(%arg11 : memref<8x1024xf32, #tpu.memory_space<vmem>>) dst(%dma_wait3A_76 : memref<8x1024xf32, #tpu.memory_space<hbm>>)
    %multiple_of3A_77 = arith.constant 496 : i32
    %multiple_of3A_78 = tpu.assume_multiple %multiple_of3A_77, 8 : i32
    %add3A_79 = arith.addi %mul3A_32, %multiple_of3A_78 : i32
    %dma_wait3A_80 = arith.constant 0 : i32
    %dma_wait3A_81 = tpu.memref_slice %arg4[%add3A_79, %select_n3A, %dma_wait3A_80] : memref<4096x4x1024xf32, #tpu.memory_space<hbm>> -> memref<8x1x1024xf32, #tpu.memory_space<hbm>>
    %dma_wait3A_82 = tpu.memref_squeeze %dma_wait3A_81 : memref<8x1x1024xf32, #tpu.memory_space<hbm>> -> memref<8x1024xf32, #tpu.memory_space<hbm>>
    %dma_wait3A_83 = arith.constant 0 : i32
    %dma_wait3A_84 = tpu.memref_slice %arg4[%add3A_79, %select_n3A, %dma_wait3A_83] : memref<4096x4x1024xf32, #tpu.memory_space<hbm>> -> memref<8x1x1024xf32, #tpu.memory_space<hbm>>
    %dma_wait3A_85 = tpu.memref_squeeze %dma_wait3A_84 : memref<8x1x1024xf32, #tpu.memory_space<hbm>> -> memref<8x1024xf32, #tpu.memory_space<hbm>>
    tpu.wait_dma2 semaphore(%arg28 : memref<!tpu.dma_semaphore, #tpu.memory_space<semaphore_mem>>) src(%arg12 : memref<8x1024xf32, #tpu.memory_space<vmem>>) dst(%dma_wait3A_85 : memref<8x1024xf32, #tpu.memory_space<hbm>>)
    %multiple_of3A_86 = arith.constant 504 : i32
    %multiple_of3A_87 = tpu.assume_multiple %multiple_of3A_86, 8 : i32
    %add3A_88 = arith.addi %mul3A_32, %multiple_of3A_87 : i32
    %dma_wait3A_89 = arith.constant 0 : i32
    %dma_wait3A_90 = tpu.memref_slice %arg4[%add3A_88, %select_n3A, %dma_wait3A_89] : memref<4096x4x1024xf32, #tpu.memory_space<hbm>> -> memref<8x1x1024xf32, #tpu.memory_space<hbm>>
    %dma_wait3A_91 = tpu.memref_squeeze %dma_wait3A_90 : memref<8x1x1024xf32, #tpu.memory_space<hbm>> -> memref<8x1024xf32, #tpu.memory_space<hbm>>
    %dma_wait3A_92 = arith.constant 0 : i32
    %dma_wait3A_93 = tpu.memref_slice %arg4[%add3A_88, %select_n3A, %dma_wait3A_92] : memref<4096x4x1024xf32, #tpu.memory_space<hbm>> -> memref<8x1x1024xf32, #tpu.memory_space<hbm>>
    %dma_wait3A_94 = tpu.memref_squeeze %dma_wait3A_93 : memref<8x1x1024xf32, #tpu.memory_space<hbm>> -> memref<8x1024xf32, #tpu.memory_space<hbm>>
    tpu.wait_dma2 semaphore(%arg29 : memref<!tpu.dma_semaphore, #tpu.memory_space<semaphore_mem>>) src(%arg13 : memref<8x1024xf32, #tpu.memory_space<vmem>>) dst(%dma_wait3A_94 : memref<8x1024xf32, #tpu.memory_space<hbm>>)
    return
  }
}

</mosaic_0001>

<sc_bundles>
// kernel: kernel.3.cloned.1.call-start
scs
__scs_entry_jumppad:
0x0: {  	(pc) =	sbr.rel $0x88, $3  }
0x1: {  	(tag) =	ssettag $0x0;
	lr =	simm.s32 $0x1  }
0x2: {  	[smem:$0x3F9F] =	sst lr;
	_ =	strace $0xD0000000  }
0x3: {  	_ = 	snop  }
0x4: {  	_ = 	snop  }
0x5: {  	_ = 	snop  }
0x6: {  	_ = 	snop  }
0x7: {  	_ = 	snop  }
__scs_overlays_trampoline_lowered:
0x8: {  	[smem:$0x3FAE] =	sst s0  }
0x9: {  	[smem:$0x3FAF] =	sst s1  }
0xa: {  	[smem:$0x3FB0] =	sst s2  }
0xb: {  	[smem:$0x3FB1] =	sst s3  }
0xc: {  	[smem:$0x3FB2] =	sst s4  }
0xd: {  	[smem:$0x3FB3] =	sst s5  }
0xe: {  	[smem:$0x3FB4] =	sst s6  }
0xf: {  	[smem:$0x3FB5] =	sst s7  }
0x10: {  	[smem:$0x3FB6] =	sst s8  }
0x11: {  	[smem:$0x3FB7] =	sst s9;
	s0 =	simm.s32 @!p0 $0x0  }
0x12: {  	s1 =	sld [smem:$0x3F9D];
	s0 =	simm.s32 @p0 $0x1  }
0x13: {  	[smem:$0x3FB8] =	sst s0;
	s0 =	simm.s32 @!p1 $0x0  }
0x14: {  	s2 =	sld [smem:$0x3F9C];
	s0 =	simm.s32 @p1 $0x1  }
0x15: {  	[smem:$0x3FB9] =	sst s0;
	s0 =	simm.s32 @!p2 $0x0  }
0x16: {  	s3 =	sld [smem:$0x3FDB];
	s0 =	simm.s32 @p2 $0x1  }
0x17: {  	s4 =	simm.s32 $0x1BF5;
	[smem:$0x3FBB] =	sst s0  }
0x18: {  	s0 =	sld [smem:$0x3F9E];
	_ =	swait.ge [sflag:s4], $0x0  }
0x19: {  	s7 =	sld [smem:$0x3F9F]  }
0x1a: {  	s8 =	sadd.s32 $0xFFFFE003, lr  }
0x1b: {  	s9 =	sadd.s32 $0xFFFFFEF7, lr;
	s5 =	simm.s32 $0xFFFFFFFF;
	p2 =	slt.u32 s8, $0xFFFFF086  }
0x1c: {  	p1 =	slt.u32 s9, $0xF7A;
	s5 =	simm.s32 @!p2 $0x0  }
0x1d: {  	s5 =	simm.s32 @p1 $0x1;
	p0 =	seq.s32 s7, s2  }
0x1e: {  	s7 =	smul.u32 @!p0 $0xF7A, s2;
	p2 =	seq.s32 @!p0 s5, $0x0  }
0x1f: {  	s9 =	smul.u32 $0xF7A, s1;
	s8 =	simm.s32 @!p0 $0x1BF5;
	p2 =	por !p2, p0  }
0x20: {  	[sflag:s8] =	ssyncset.s32 @!p0 $0xFFFFF086;
	s6 =	sadd.s32 @!p0 s3, s7;
	s7 =	simm.s32 @!p0 $0x108  }
0x21: {  	s3 =	sadd.s32 s3, s9;
	s6 =	sadd.s32 @!p0 $0x88, s6;
	s7 =	simm.s32 @p2 $0x1082  }
0x22: {  	[simem:s7], [sflag:s8] =	dma.local @!p0 [hbm:s6], $0xF7A  }
0x23: {  	s9 =	sor.u32 $0xD0000000, s2;
	s6 =	simm.s32 $0x108;
	_ =	swait.ge @!p0 [sflag:s8], $0x0  }
0x24: {  	s3 =	sadd.s32 $0x88, s3;
	s6 =	simm.s32 @!p1 $0x1082;
	[sflag:s4] =	ssyncset.s32 $0xFFFFF086  }
0x25: {  	[simem:s6], [sflag:s4] =	dma.local [hbm:s3], $0xF7A  }
0x26: {  	[smem:$0x3F9F] =	sst s1;
	(tag) =	ssettag s2;
	_ =	strace s9  }
0x27: {  	s1 =	sld [smem:$0x3FAF]  }
0x28: {  	s2 =	sld [smem:$0x3FB0]  }
0x29: {  	s4 =	sld [smem:$0x3FB2]  }
0x2a: {  	p0 =	seq.s32 s5, $0x0;
	s5 =	sld [smem:$0x3FB3]  }
0x2b: {  	s6 =	sld [smem:$0x3FB4]  }
0x2c: {  	s7 =	sld [smem:$0x3FB5]  }
0x2d: {  	s3 =	simm.s32 $0x108;
	s8 =	sld [smem:$0x3FB6]  }
0x2e: {  	s3 =	simm.s32 @!p0 $0x1082;
	s9 =	sld [smem:$0x3FB7]  }
0x2f: {  	lr =	sadd.s32 s0, s3;
	s0 =	sld [smem:$0x3FAE]  }
0x30: {  	s3 =	sld [smem:$0x3FB1]  }
0x31: {  	[smem:$0x3FBA] =	sst s10  }
0x32: {  	s10 =	sld [smem:$0x3FB8];
	_ =	sdelay $0x3  }
0x33: {  	p0 =	seq.s32 s10, $0x1;
	s10 =	sld [smem:$0x3FBA];
	_ =	sdelay $0x3  }
0x34: {  	[smem:$0x3FBA] =	sst s10  }
0x35: {  	s10 =	sld [smem:$0x3FB9];
	_ =	sdelay $0x3  }
0x36: {  	p1 =	seq.s32 s10, $0x1;
	s10 =	sld [smem:$0x3FBA];
	_ =	sdelay $0x3  }
0x37: {  	[smem:$0x3FBA] =	sst s10  }
0x38: {  	s10 =	sld [smem:$0x3FBB]  }
0x39: {  	_ = 	snop;
	(pc) =	sbr.ind lr, $3  }
0x3a: {  	_ = 	snop  }
0x3b: {  	_ = 	snop  }
0x3c: {  	p2 =	seq.s32 s10, $0x1;
	s10 =	sld [smem:$0x3FBA]  }
0x3d: {  	_ =	shalt  }
0x3e: {  	_ =	shalt  }
0x3f: {  	_ =	shalt  }
0x40: {  	_ =	shalt  }
0x41: {  	_ =	shalt  }
0x42: {  	_ =	shalt  }
0x43: {  	_ =	shalt  }
0x44: {  	_ =	shalt  }
0x45: {  	_ =	shalt  }
0x46: {  	_ =	shalt  }
0x47: {  	_ =	shalt  }
0x48: {  	_ =	shalt  }
0x49: {  	_ =	shalt  }
0x4a: {  	_ =	shalt  }
0x4b: {  	_ =	shalt  }
0x4c: {  	_ =	shalt  }
0x4d: {  	_ =	shalt  }
0x4e: {  	_ =	shalt  }
0x4f: {  	_ =	shalt  }
0x50: {  	_ =	shalt  }
0x51: {  	_ =	shalt  }
0x52: {  	_ =	shalt  }
0x53: {  	_ =	shalt  }
0x54: {  	_ =	shalt  }
0x55: {  	_ =	shalt  }
0x56: {  	_ =	shalt  }
0x57: {  	_ =	shalt  }
0x58: {  	_ =	shalt  }
0x59: {  	_ =	shalt  }
0x5a: {  	_ =	shalt  }
0x5b: {  	_ =	shalt  }
0x5c: {  	_ =	shalt  }
0x5d: {  	_ =	shalt  }
0x5e: {  	_ =	shalt  }
0x5f: {  	_ =	shalt  }
0x60: {  	_ =	shalt  }
0x61: {  	_ =	shalt  }
0x62: {  	_ =	shalt  }
0x63: {  	_ =	shalt  }
0x64: {  	_ =	shalt  }
0x65: {  	_ =	shalt  }
0x66: {  	_ =	shalt  }
0x67: {  	_ =	shalt  }
0x68: {  	_ =	shalt  }
0x69: {  	_ =	shalt  }
0x6a: {  	_ =	shalt  }
0x6b: {  	_ =	shalt  }
0x6c: {  	_ =	shalt  }
0x6d: {  	_ =	shalt  }
0x6e: {  	_ =	shalt  }
0x6f: {  	_ =	shalt  }
0x70: {  	_ =	shalt  }
0x71: {  	_ =	shalt  }
0x72: {  	_ =	shalt  }
0x73: {  	_ =	shalt  }
0x74: {  	_ =	shalt  }
0x75: {  	_ =	shalt  }
0x76: {  	_ =	shalt  }
0x77: {  	_ =	shalt  }
0x78: {  	_ =	shalt  }
0x79: {  	_ =	shalt  }
0x7a: {  	_ =	shalt  }
0x7b: {  	_ =	shalt  }
0x7c: {  	_ =	shalt  }
0x7d: {  	_ =	shalt  }
0x7e: {  	_ =	shalt  }
0x7f: {  	_ =	shalt  }
0x80: {  	_ =	shalt  }
0x81: {  	_ =	shalt  }
0x82: {  	_ =	shalt  }
0x83: {  	_ =	shalt  }
0x84: {  	_ =	shalt  }
0x85: {  	_ =	shalt  }
0x86: {  	_ =	shalt  }
0x87: {  	_ =	shalt  }
.Lfunc_end0:
.L_simem_size_0:
called_computation_lowered:
.L_overlay_start_0:
0x88: {  	s2 =	sld [smem:$0x3FD9]  }
0x89: {  	s3 =	sld [smem:$0x3FFE];
	_ =	sdelay $0x1  }
0x8a: {  	s1 =	srdreg.scid  }
0x8b: {  	s0 =	sand.u32 $0x1, s1  }
0x8c: {  	s15 =	sshll.u32 s0, $0xA;
	s2 =	sadd.s32 s3, s2  }
0x8d: {  	s2 =	sadd.s32 s2, s15  }
0x8e: {  	[smem:$0x3FC6] =	sst s2  }
0x8f: {  	_ = 	snop  }
0x90: {  	s2 =	sld [smem:$0x3FD0];
	_ =	sdelay $0x1  }
0x91: {  	s16 =	sld [smem:$0x3FC9]  }
0x92: {  	s5 =	simm.s32 $0xA;
	s6 =	simm.s32 $0x10;
	s4 =	sld [smem:$0x3FC8]  }
0x93: {  	[smem:s6], [sflag:s5] =	dma.local [hbm:s2], $0x1  }
0x94: {  	_ =	swait.eq [sflag:s5], $0x1  }
0x95: {  	[sflag:s5] =	ssyncset.done $0x0  }
0x96: {  	[sflag:s5] =	ssyncadd.s32 $0xFFFFFFFF  }
0x97: {  	s17 =	sld [smem:$0x10];
	(tm) =	ssettm $0x1  }
0x98: {  	s18 =	sld [smem:$0x3FFB];
	_ =	sdelay $0x3  }
0x99: {  	_ =	strace s18  }
0x9a: {  	s5 =	sld [smem:$0x3FFC];
	_ =	sdelay $0x3  }
0x9b: {  	_ =	strace s5  }
0x9c: {  	s5 =	sld [smem:$0x3FFD];
	_ =	sdelay $0x3  }
0x9d: {  	_ =	strace s5  }
0x9e: {  	_ =	strace $0x8FFFFFFF  }
0x9f: {  	s19 =	sld [smem:$0x3FDB];
	_ =	sdelay $0x1  }
0xa0: {  	s20 =	simm.s32 $_scs_section_size  }
0xa1: {  	s7 =	simm.s32 $_size__tile_overlayer_lowered;
	s8 =	simm.s32 $_tile_overlayer_lowered  }
0xa2: {  	s23 =	simm.s32 $0x1BFF;
	s22 =	sshll.u32 s8, $0x1;
	s5 =	sadd.s32 s20, s19  }
0xa3: {  	s9 =	simm.s32 $0x0;
	s21 =	sshll.u32 s7, $0x1;
	s7 =	sadd.s32 s22, s5  }
0xa4: {  	[timem:s9], [sflag:s23] =	dma.local [hbm:s7], s21  }
0xa5: {  	_ =	swait.ge [sflag:s23], s21  }
0xa6: {  	s6 =	ssub.s32 $0x0, s21;
	[sflag:s23] =	ssyncset.done $0x0  }
0xa7: {  	[sflag:s23] =	ssyncadd.s32 s6;
	_ =	sdelay $0x1  }
0xa8: {  	s24 =	simm.s32 $0x1B8B  }
0xa9: {  	_ =	swait.ge [sflag:s24], $0x1  }
0xaa: {  	[sflag:s24] =	ssyncset.done $0x0  }
0xab: {  	s25 =	simm.s32 $0x1B8E;
	[sflag:s24] =	ssyncadd.s32 $0xFFFFFFFF  }
0xac: {  	s26 =	simm.s32 $execute0_lowered;
	[smem:$0x3FD2] =	sst s25  }
0xad: {  	s6 =	sshll.u32 s26, $0x1;
	_ =	strace $0x80000046;
	[dreg:$0x1] =	wrdreg $0xFFFFFFFF  }
0xae: {  	s28 =	simm.s32 $_size_execute0_lowered;
	s5 =	sadd.s32 s5, s6;
	[dreg:$0x0] =	wrdreg $0x0  }
0xaf: {  	s6 =	sshll.u32 s28, $0x1;
	[dreg:$0x2] =	wrdreg s5  }
0xb0: {  	[dreg:$0x3] =	wrdreg s6  }
0xb1: {  	[dreg:$0x4] =	wrdreg $0xC0  }
0xb2: {  	_ =	task [dreg:s9], $0x5FFFF  }
0xb3: {  	[dreg:$0x1] =	wrdreg $0xFFFFFFFF  }
0xb4: {  	[dreg:$0x0] =	wrdreg $0x60  }
0xb5: {  	[dreg:$0x2] =	wrdreg s16  }
0xb6: {  	[dreg:$0x3] =	wrdreg s4  }
0xb7: {  	[dreg:$0x4] =	wrdreg s17  }
0xb8: {  	[dreg:$0x5] =	wrdreg $0x9  }
0xb9: {  	_ =	task.clear_ibuf [dreg:s9], $0x6FFFF;
	_ =	strace $0x90000046  }
0xba: {  	s29 =	simm.s32 $0x9;
	_ =	strace $0x80000048  }
0xbb: {  	_ =	swait.ge [sflag:s29], $0x1  }
0xbc: {  	[sflag:s29] =	ssyncadd.s32 $0xFFFFFFFF  }
0xbd: {  	_ =	strace $0x90000048  }
0xbe: {  	_ =	sfence  }
0xbf: {  	s30 =	sld [smem:$0x0];
	_ =	sdelay $0x2  }
0xc0: {  	s31 =	sshll.u32 s1, $0xD;
	s1 =	sshrl.u32 s1, $0x2  }
0xc1: {  	s3 =	sand.u32 $0x4000, s31;
	s1 =	sadd.s32 s1, s30  }
0xc2: {  	s0 =	sor.u32 s3, s0;
	s1 =	sshll.u32 s1, $0x11  }
0xc3: {  	s0 =	sor.u32 s1, s0  }
0xc4: {  	s0 =	sadd.s32 $0x8F2B, s0  }
0xc5: {  	[sflag:s0] =	ssyncadd.remote.s32 $0x1  }
0xc6: {  	_ =	sfence.sel $0xFFFF  }
0xc7: {  	[dreg:$0x0] =	wrdreg $0xFFFFFFFF;
	(pc) =	sbr.abs _section_cstart, $3  }
0xc8: {  	[dreg:$0x1] =	wrdreg $0xFFFFFFFF  }
0xc9: {  	_ =	task.clear_ibuf [dreg:s9], $0x2FFFF;
	_ =	strace $0x9FFFFFFF  }
0xca: {  	(tm) =	ssettm $0x7FFFFFFF  }
0xcb: {  	_ =	shalt  }
tec
execute0_lowered:
.L_overlay_start_1:
0x0: {  	(tag) =	ssettag $0x1  }
0x1: {  	s0 =	rddreg [dreg:$0x0]  }
0x2: {  	s2 =	rddreg [dreg:$0x1]  }
0x3: {  	s1 =	rddreg [dreg:$0x2];
	s3 =	simm.s32 $0x0  }
0x4: {  	s8 =	stileid.u32;
	s4 =	srdreg.scid;
	s14 =	simm.s32 $0x80  }
0x5: {  	s18 =	simm.s32 $0x6A00;
	s10 =	simm.s32 $0x7A00;
	s20 =	simm.s32 $0x8  }
0x6: {  	s16 =	simm.s32 $0xC;
	s12 =	simm.s32 $0x8A00;
	s13 =	simm.s32 $0x9200  }
0x7: {  	s21 =	simm.s32 $0xC200;
	s29 =	simm.s32 $0xDA00;
	[smem:$0x7FF] =	sst s3  }
0x8: {  	s5 =	sshll.u32 s8, $0x1;
	s4 =	sand.u32 $0x1, s4;
	s7 =	sshll.u32 s8, $0x5  }
0x9: {  	s8 =	sand.u32 $0x3, s8;
	_ =	strace $0x80000047;
	s5 =	sand.u32 $0x6, s5  }
0xa: {  	s6 =	ssub.s32 $0x2, s4;
	s7 =	sand.u32 $0x180, s7;
	s8 =	sshll.u32 s8, $0x16  }
0xb: {  	s5 =	sor.u32 s4, s5;
	s4 =	sshll.u32 s4, $0x15;
	s9 =	sshrl.u32 s6, $0x1  }
0xc: {  	s5 =	sshll.u32 s5, $0xB;
	s4 =	sor.u32 s4, s8;
	s22 =	ssub.s32 s6, s9  }
0xd: {  	s6 =	sadd.s32 $0x200, s2;
	s9 =	simm.s32 $0xD200;
	s5 =	sor.u32 s7, s5  }
0xe: {  	s23 =	sor.u32 s7, s4;
	s7 =	sadd.s32 $0x300, s2;
	s8 =	smax.u32 s22, $0x1  }
0xf: {  	s22 =	simm.s32 $0x6200;
	s5 =	sshrl.u32 s5, $0x3;
	s4 =	sor.u32 $0x20000, s23  }
0x10: {  	s24 =	sor.u32 $0x28000, s23;
	[dreg:$0x5] =	wrdreg s8;
	s26 =	sor.u32 $0x30000, s23  }
0x11: {  	s28 =	sor.u32 $0x38000, s23;
	s0 =	sadd.s32 s0, s5;
	s5 =	sadd.s32 $0x100, s2  }
0x12: {  	s4 =	sshrl.u32 s4, $0x3;
	s25 =	sshrl.u32 s24, $0x3;
	s8 =	sshrl.u32 s28, $0x3  }
0x13: {  	[dreg:$0x4] =	wrdreg s0;
	s4 =	sadd.s32 s4, s1;
	s0 =	sshrl.u32 s23, $0x3  }
.Ltmp0:
0x14: {  	s31 =	sadd.s32 s8, s1;
	[dreg:$0x6] =	wrdreg s4;
	(pc) =	sbr.rel .LBB2_1-.Ltmp0, $4  }
0x15: {  	s23 =	simm.s32 $0x7200;
	s4 =	sadd.s32 s25, s1;
	[dreg:$0xa] =	wrdreg s31  }
0x16: {  	v0 =	vlaneseq.u32;
	s0 =	sadd.s32 s0, s1;
	[dreg:$0x7] =	wrdreg s4;
	s4 =	sshrl.u32 s26, $0x3  }
0x17: {  	v1 =	vshrl.u32 v0, $0x3;
	s8 =	simm.s32 $0xB;
	[dreg:$0x8] =	wrdreg s0;
	s30 =	sadd.s32 s4, s1  }
0x18: {  	vm0 =	vmmov $0xffff;
	v0 =	vand.u32 $0x7, v0;
	v1 =	vmul.u32 $0x8, v1;
	s4 =	simm.s32 $0x1000;
	s1 =	simm.s32 $0x0;
	[dreg:$0x9] =	wrdreg s30  }
.LBB2_4:
0x19: {  	s0 =	simm.s32 $0xD  }
0x1a: {  	_ =	swait.ge [sflag:s0], $0x2000  }
0x1b: {  	[sflag:s0] =	ssyncset.done $0x0  }
0x1c: {  	s28 =	simm.s32 $0xE;
	[sflag:s0] =	ssyncadd.s32 $0xFFFFE000  }
0x1d: {  	_ =	swait.ge [sflag:s28], $0x2000  }
0x1e: {  	[sflag:s28] =	ssyncset.done $0x0  }
0x1f: {  	s30 =	simm.s32 $0xF;
	[sflag:s28] =	ssyncadd.s32 $0xFFFFE000  }
0x20: {  	_ =	swait.ge [sflag:s30], $0x2000  }
0x21: {  	[sflag:s30] =	ssyncset.done $0x0  }
0x22: {  	s31 =	simm.s32 $0x10;
	[sflag:s30] =	ssyncadd.s32 $0xFFFFE000  }
0x23: {  	_ =	swait.ge [sflag:s31], $0x2000  }
0x24: {  	s1 =	rddreg [dreg:$0xb]  }
0x25: {  	s17 =	rddreg [dreg:$0x5];
	s1 =	sadd.s32 $0x1, s1  }
0x26: {  	p0 =	sne.s32 s1, s17  }
.Ltmp1:
0x27: {  	_ = 	snop;
	(pc) =	sbr.rel @!p0 .LBB2_5-.Ltmp1, $3  }
0x28: {  	_ =	sdelay $0x1  }
0x29: {  	s22 =	simm.s32 $0x6200;
	s18 =	simm.s32 $0x6A00;
	[sflag:s31] =	ssyncset.done $0x0  }
0x2a: {  	s23 =	simm.s32 $0x7200;
	s10 =	simm.s32 $0x7A00;
	[sflag:s31] =	ssyncadd.s32 $0xFFFFE000  }
.LBB2_1:
0x2b: {  	[dreg:$0xb] =	wrdreg s1  }
0x2c: {  	s17 =	rddreg [dreg:$0x4];
	s24 =	simm.s32 $0x200;
	s25 =	simm.s32 $0x11  }
0x2d: {  	[tilespmem:s3], [sflag:$0x11] =	stream.strided.gather [hbm4b:s17+s14], $0x200, s24, s14, $0x38;
	[tilespmem:$0x10200] =	vst v63  }
0x2e: {  	_ =	swait.ge [sflag:s25], $0x200  }
0x2f: {  	[sflag:s25] =	ssyncset.done $0x0  }
0x30: {  	[sflag:s25] =	ssyncadd.s32 $0xFFFFFE00  }
0x31: {  	v2 =	vld.msk [tilespmem:$0x0], $0xff;
	_ =	sdelay $0x4  }
0x32: {  	v3 =	vshll.u32 v2, $0x3  }
0x33: {  	v2 =	vand.u32 $0x7, v2;
	v3 =	vand.u32 $0xFFFFFFC0, v3  }
0x34: {  	v2 =	vor.u32 v2, v3  }
0x35: {  	v2 =	vperm.xlane v2, v0;
	_ =	sdelay $0x1  }
0x36: {  	v2 =	vadd.s32 v1, v2;
	_ =	sdelay $0x4  }
0x37: {  	[tilespmem:s24], [sflag:$0x1] =	stream.indirect_vreg.gather [hbm4b:s2+s3], $0x80, v2, vm0, $0xb8;
	[tilespmem:$0x10200] =	vst v63  }
0x38: {  	s26 =	simm.s32 $0xA00  }
0x39: {  	[tilespmem:s26], [sflag:$0x1] =	stream.indirect_vreg.gather [hbm4b:s5+s3], $0x80, v2, vm0, $0xb8;
	[tilespmem:$0x10200] =	vst v63  }
0x3a: {  	s28 =	simm.s32 $0x1200  }
0x3b: {  	[tilespmem:s28], [sflag:$0x1] =	stream.indirect_vreg.gather [hbm4b:s6+s3], $0x80, v2, vm0, $0xb8;
	[tilespmem:$0x10200] =	vst v63  }
0x3c: {  	s0 =	simm.s32 $0x1A00  }
0x3d: {  	[tilespmem:s0], [sflag:$0x1] =	stream.indirect_vreg.gather [hbm4b:s7+s3], $0x80, v2, vm0, $0xb8;
	[tilespmem:$0x10200] =	vst v63  }
0x3e: {  	v2 =	vld.msk [tilespmem:$0x8], $0xff;
	_ =	sdelay $0x4  }
0x3f: {  	v3 =	vshll.u32 v2, $0x3  }
0x40: {  	v2 =	vand.u32 $0x7, v2;
	v3 =	vand.u32 $0xFFFFFFC0, v3  }
0x41: {  	v2 =	vor.u32 v2, v3  }
0x42: {  	v2 =	vperm.xlane v2, v0;
	_ =	sdelay $0x1  }
0x43: {  	v2 =	vadd.s32 v1, v2;
	_ =	sdelay $0x3  }
0x44: {  	s1 =	simm.s32 $0x2200  }
0x45: {  	[tilespmem:s1], [sflag:$0x2] =	stream.indirect_vreg.gather [hbm4b:s2+s3], $0x80, v2, vm0, $0xb8;
	[tilespmem:$0x10200] =	vst v63  }
0x46: {  	s11 =	simm.s32 $0x2A00  }
0x47: {  	[tilespmem:s11], [sflag:$0x2] =	stream.indirect_vreg.gather [hbm4b:s5+s3], $0x80, v2, vm0, $0xb8;
	[tilespmem:$0x10200] =	vst v63  }
0x48: {  	s15 =	simm.s32 $0x3200  }
0x49: {  	[tilespmem:s15], [sflag:$0x2] =	stream.indirect_vreg.gather [hbm4b:s6+s3], $0x80, v2, vm0, $0xb8;
	[tilespmem:$0x10200] =	vst v63  }
0x4a: {  	s19 =	simm.s32 $0x3A00  }
0x4b: {  	[tilespmem:s19], [sflag:$0x2] =	stream.indirect_vreg.gather [hbm4b:s7+s3], $0x80, v2, vm0, $0xb8;
	[tilespmem:$0x10200] =	vst v63  }
0x4c: {  	v2 =	vld.msk [tilespmem:$0x10], $0xff;
	_ =	sdelay $0x4  }
0x4d: {  	v3 =	vshll.u32 v2, $0x3  }
0x4e: {  	v2 =	vand.u32 $0x7, v2;
	v3 =	vand.u32 $0xFFFFFFC0, v3  }
0x4f: {  	v2 =	vor.u32 v2, v3  }
0x50: {  	v2 =	vperm.xlane v2, v0;
	_ =	sdelay $0x1  }
0x51: {  	v2 =	vadd.s32 v1, v2;
	_ =	sdelay $0x3  }
0x52: {  	s24 =	simm.s32 $0x4200  }
0x53: {  	[tilespmem:s24], [sflag:$0x3] =	stream.indirect_vreg.gather [hbm4b:s2+s3], $0x80, v2, vm0, $0xb8;
	[tilespmem:$0x10200] =	vst v63  }
0x54: {  	s25 =	simm.s32 $0x4A00  }
0x55: {  	[tilespmem:s25], [sflag:$0x3] =	stream.indirect_vreg.gather [hbm4b:s5+s3], $0x80, v2, vm0, $0xb8;
	[tilespmem:$0x10200] =	vst v63  }
0x56: {  	s26 =	simm.s32 $0x5200  }
0x57: {  	[tilespmem:s26], [sflag:$0x3] =	stream.indirect_vreg.gather [hbm4b:s6+s3], $0x80, v2, vm0, $0xb8;
	[tilespmem:$0x10200] =	vst v63  }
0x58: {  	s28 =	simm.s32 $0x5A00  }
0x59: {  	[tilespmem:s28], [sflag:$0x3] =	stream.indirect_vreg.gather [hbm4b:s7+s3], $0x80, v2, vm0, $0xb8;
	[tilespmem:$0x10200] =	vst v63  }
0x5a: {  	v2 =	vld.msk [tilespmem:$0x18], $0xff;
	_ =	sdelay $0x4  }
0x5b: {  	v3 =	vshll.u32 v2, $0x3  }
0x5c: {  	v2 =	vand.u32 $0x7, v2;
	v3 =	vand.u32 $0xFFFFFFC0, v3  }
0x5d: {  	v2 =	vor.u32 v2, v3  }
0x5e: {  	v2 =	vperm.xlane v2, v0;
	_ =	sdelay $0x1  }
0x5f: {  	v2 =	vadd.s32 v1, v2;
	_ =	sdelay $0x4  }
0x60: {  	[tilespmem:s22], [sflag:$0x4] =	stream.indirect_vreg.gather [hbm4b:s2+s3], $0x80, v2, vm0, $0xb8;
	[tilespmem:$0x10200] =	vst v63  }
0x61: {  	_ = 	snop  }
0x62: {  	[tilespmem:s18], [sflag:$0x4] =	stream.indirect_vreg.gather [hbm4b:s5+s3], $0x80, v2, vm0, $0xb8;
	[tilespmem:$0x10200] =	vst v63  }
0x63: {  	s30 =	simm.s32 $0x7200;
	s31 =	simm.s32 $0x7A00;
	s0 =	simm.s32 $0x6200  }
0x64: {  	[tilespmem:s23], [sflag:$0x4] =	stream.indirect_vreg.gather [hbm4b:s6+s3], $0x80, v2, vm0, $0xb8;
	[tilespmem:$0x10200] =	vst v63  }
0x65: {  	s19 =	simm.s32 $0x6A00;
	s24 =	simm.s32 $0x30;
	s25 =	simm.s32 $0x0  }
0x66: {  	[tilespmem:s10], [sflag:$0x4] =	stream.indirect_vreg.gather [hbm4b:s7+s3], $0x80, v2, vm0, $0xb8;
	[tilespmem:$0x10200] =	vst v63  }
.LBB2_2:
0x67: {  	s1 =	simm.s32 $0x1  }
0x68: {  	_ =	swait.ge [sflag:s1], $0x2000  }
0x69: {  	[sflag:s1] =	ssyncset.done $0x0;
	s17 =	rddreg [dreg:$0x8]  }
0x6a: {  	s22 =	simm.s32 $0x200;
	[sflag:s1] =	ssyncadd.s32 $0xFFFFE000;
	s26 =	sadd.s32 s25, s17  }
0x6b: {  	[hbm4b:s26+s14] =	stream.strided.scatter [tilespmem:s22], [sflag:$0x9], $0x400, s4, s14, $0x38;
	[tilespmem:$0x10200] =	vst v63  }
0x6c: {  	s23 =	simm.s32 $0x600;
	s28 =	sadd.s32 $0x40, s26  }
0x6d: {  	[hbm4b:s28+s14] =	stream.strided.scatter [tilespmem:s23], [sflag:$0x9], $0x400, s4, s14, $0x38;
	[tilespmem:$0x10200] =	vst v63  }
0x6e: {  	s10 =	simm.s32 $0xA00;
	s1 =	sadd.s32 $0x80, s26  }
0x6f: {  	[hbm4b:s1+s14] =	stream.strided.scatter [tilespmem:s10], [sflag:$0x9], $0x400, s4, s14, $0x38;
	[tilespmem:$0x10200] =	vst v63  }
0x70: {  	s15 =	simm.s32 $0xE00;
	s11 =	sadd.s32 $0xC0, s26  }
0x71: {  	[hbm4b:s11+s14] =	stream.strided.scatter [tilespmem:s15], [sflag:$0x9], $0x400, s4, s14, $0x38;
	[tilespmem:$0x10200] =	vst v63  }
0x72: {  	s18 =	simm.s32 $0x1200;
	s17 =	sadd.s32 $0x100, s26  }
0x73: {  	[hbm4b:s17+s14] =	stream.strided.scatter [tilespmem:s18], [sflag:$0x9], $0x400, s4, s14, $0x38;
	[tilespmem:$0x10200] =	vst v63  }
0x74: {  	s22 =	sadd.s32 $0x140, s26;
	s23 =	simm.s32 $0x1600  }
0x75: {  	[hbm4b:s22+s14] =	stream.strided.scatter [tilespmem:s23], [sflag:$0x9], $0x400, s4, s14, $0x38;
	[tilespmem:$0x10200] =	vst v63  }
0x76: {  	p0 =	seq.s32 s25, $0x0;
	s1 =	sadd.s32 $0x180, s26;
	s10 =	simm.s32 $0x1A00  }
0x77: {  	[hbm4b:s1+s14] =	stream.strided.scatter [tilespmem:s10], [sflag:$0x9], $0x400, s4, s14, $0x38;
	[tilespmem:$0x10200] =	vst v63  }
0x78: {  	s28 =	simm.s32 @!p0 $0xD;
	s11 =	sadd.s32 $0x1C0, s26;
	s15 =	simm.s32 $0x1E00  }
0x79: {  	[hbm4b:s11+s14] =	stream.strided.scatter [tilespmem:s15], [sflag:$0x9], $0x400, s4, s14, $0x38;
	[tilespmem:$0x10200] =	vst v63  }
0x7a: {  	_ =	swait.ge @!p0 [sflag:s28], $0x2000  }
0x7b: {  	[sflag:s28] =	ssyncset.done @!p0 $0x0  }
0x7c: {  	[sflag:s28] =	ssyncadd.s32 @!p0 $0xFFFFE000  }
0x7d: {  	v2 =	vld.msk [tilespmem:s24+$0xFFFFFFF0], $0xff;
	_ =	sdelay $0x4  }
0x7e: {  	v3 =	vshll.u32 v2, $0x3  }
0x7f: {  	v2 =	vand.u32 $0x7, v2;
	v3 =	vand.u32 $0xFFFFFFC0, v3  }
0x80: {  	v2 =	vor.u32 v2, v3  }
0x81: {  	v2 =	vperm.xlane v2, v0;
	_ =	sdelay $0x1  }
0x82: {  	v2 =	vadd.s32 v1, v2;
	_ =	sdelay $0x3  }
0x83: {  	s11 =	simm.s32 $0x8200  }
0x84: {  	[tilespmem:s11], [sflag:$0x5] =	stream.indirect_vreg.gather [hbm4b:s2+s3], $0x80, v2, vm0, $0xb8;
	[tilespmem:$0x10200] =	vst v63  }
0x85: {  	_ = 	snop  }
0x86: {  	[tilespmem:s12], [sflag:$0x5] =	stream.indirect_vreg.gather [hbm4b:s5+s3], $0x80, v2, vm0, $0xb8;
	[tilespmem:$0x10200] =	vst v63  }
0x87: {  	_ = 	snop  }
0x88: {  	[tilespmem:s13], [sflag:$0x5] =	stream.indirect_vreg.gather [hbm4b:s6+s3], $0x80, v2, vm0, $0xb8;
	[tilespmem:$0x10200] =	vst v63  }
0x89: {  	s18 =	simm.s32 $0x2;
	s22 =	simm.s32 $0x9A00  }
0x8a: {  	[tilespmem:s22], [sflag:$0x5] =	stream.indirect_vreg.gather [hbm4b:s7+s3], $0x80, v2, vm0, $0xb8;
	[tilespmem:$0x10200] =	vst v63  }
0x8b: {  	_ =	swait.ge [sflag:s18], $0x2000  }
0x8c: {  	[sflag:s18] =	ssyncset.done $0x0  }
0x8d: {  	s23 =	sadd.s32 $0x1000, s26;
	s1 =	simm.s32 $0x2200;
	[sflag:s18] =	ssyncadd.s32 $0xFFFFE000  }
0x8e: {  	[hbm4b:s23+s14] =	stream.strided.scatter [tilespmem:s1], [sflag:$0xA], $0x400, s4, s14, $0x38;
	[tilespmem:$0x10200] =	vst v63  }
0x8f: {  	s10 =	sadd.s32 $0x1040, s26;
	s15 =	simm.s32 $0x2600  }
0x90: {  	[hbm4b:s10+s14] =	stream.strided.scatter [tilespmem:s15], [sflag:$0xA], $0x400, s4, s14, $0x38;
	[tilespmem:$0x10200] =	vst v63  }
0x91: {  	s17 =	sadd.s32 $0x1080, s26;
	s18 =	simm.s32 $0x2A00  }
0x92: {  	[hbm4b:s17+s14] =	stream.strided.scatter [tilespmem:s18], [sflag:$0xA], $0x400, s4, s14, $0x38;
	[tilespmem:$0x10200] =	vst v63  }
0x93: {  	s23 =	sadd.s32 $0x10C0, s26;
	s1 =	simm.s32 $0x2E00  }
0x94: {  	[hbm4b:s23+s14] =	stream.strided.scatter [tilespmem:s1], [sflag:$0xA], $0x400, s4, s14, $0x38;
	[tilespmem:$0x10200] =	vst v63  }
0x95: {  	s10 =	sadd.s32 $0x1100, s26;
	s15 =	simm.s32 $0x3200  }
0x96: {  	[hbm4b:s10+s14] =	stream.strided.scatter [tilespmem:s15], [sflag:$0xA], $0x400, s4, s14, $0x38;
	[tilespmem:$0x10200] =	vst v63  }
0x97: {  	s17 =	sadd.s32 $0x1140, s26;
	s18 =	simm.s32 $0x3600  }
0x98: {  	[hbm4b:s17+s14] =	stream.strided.scatter [tilespmem:s18], [sflag:$0xA], $0x400, s4, s14, $0x38;
	[tilespmem:$0x10200] =	vst v63  }
0x99: {  	s23 =	sadd.s32 $0x1180, s26;
	s1 =	simm.s32 $0x3A00  }
0x9a: {  	[hbm4b:s23+s14] =	stream.strided.scatter [tilespmem:s1], [sflag:$0xA], $0x400, s4, s14, $0x38;
	[tilespmem:$0x10200] =	vst v63  }
0x9b: {  	s28 =	simm.s32 @!p0 $0xE;
	s10 =	sadd.s32 $0x11C0, s26;
	s15 =	simm.s32 $0x3E00  }
0x9c: {  	[hbm4b:s10+s14] =	stream.strided.scatter [tilespmem:s15], [sflag:$0xA], $0x400, s4, s14, $0x38;
	[tilespmem:$0x10200] =	vst v63  }
0x9d: {  	_ =	swait.ge @!p0 [sflag:s28], $0x2000  }
0x9e: {  	[sflag:s28] =	ssyncset.done @!p0 $0x0  }
0x9f: {  	[sflag:s28] =	ssyncadd.s32 @!p0 $0xFFFFE000  }
0xa0: {  	v2 =	vld.msk [tilespmem:s24+$0xFFFFFFF8], $0xff;
	_ =	sdelay $0x4  }
0xa1: {  	v3 =	vshll.u32 v2, $0x3  }
0xa2: {  	v2 =	vand.u32 $0x7, v2;
	v3 =	vand.u32 $0xFFFFFFC0, v3  }
0xa3: {  	v2 =	vor.u32 v2, v3  }
0xa4: {  	v2 =	vperm.xlane v2, v0;
	_ =	sdelay $0x1  }
0xa5: {  	v2 =	vadd.s32 v1, v2;
	_ =	sdelay $0x3  }
0xa6: {  	s18 =	simm.s32 $0xA200  }
0xa7: {  	[tilespmem:s18], [sflag:$0x6] =	stream.indirect_vreg.gather [hbm4b:s2+s3], $0x80, v2, vm0, $0xb8;
	[tilespmem:$0x10200] =	vst v63  }
0xa8: {  	s23 =	simm.s32 $0xAA00  }
0xa9: {  	[tilespmem:s23], [sflag:$0x6] =	stream.indirect_vreg.gather [hbm4b:s5+s3], $0x80, v2, vm0, $0xb8;
	[tilespmem:$0x10200] =	vst v63  }
0xaa: {  	s10 =	simm.s32 $0xB200  }
0xab: {  	[tilespmem:s10], [sflag:$0x6] =	stream.indirect_vreg.gather [hbm4b:s6+s3], $0x80, v2, vm0, $0xb8;
	[tilespmem:$0x10200] =	vst v63  }
0xac: {  	s1 =	simm.s32 $0xBA00;
	s15 =	simm.s32 $0x3  }
0xad: {  	[tilespmem:s1], [sflag:$0x6] =	stream.indirect_vreg.gather [hbm4b:s7+s3], $0x80, v2, vm0, $0xb8;
	[tilespmem:$0x10200] =	vst v63  }
0xae: {  	_ =	swait.ge [sflag:s15], $0x2000  }
0xaf: {  	[sflag:s15] =	ssyncset.done $0x0  }
0xb0: {  	s17 =	sadd.s32 $0x2000, s26;
	[sflag:s15] =	ssyncadd.s32 $0xFFFFE000;
	s15 =	simm.s32 $0x4200  }
0xb1: {  	[hbm4b:s17+s14] =	stream.strided.scatter [tilespmem:s15], [sflag:$0xB], $0x400, s4, s14, $0x38;
	[tilespmem:$0x10200] =	vst v63  }
0xb2: {  	s17 =	sadd.s32 $0x2040, s26;
	s15 =	simm.s32 $0x4600  }
0xb3: {  	[hbm4b:s17+s14] =	stream.strided.scatter [tilespmem:s15], [sflag:$0xB], $0x400, s4, s14, $0x38;
	[tilespmem:$0x10200] =	vst v63  }
0xb4: {  	s17 =	sadd.s32 $0x2080, s26;
	s15 =	simm.s32 $0x4A00  }
0xb5: {  	[hbm4b:s17+s14] =	stream.strided.scatter [tilespmem:s15], [sflag:$0xB], $0x400, s4, s14, $0x38;
	[tilespmem:$0x10200] =	vst v63  }
0xb6: {  	s17 =	sadd.s32 $0x20C0, s26;
	s15 =	simm.s32 $0x4E00  }
0xb7: {  	[hbm4b:s17+s14] =	stream.strided.scatter [tilespmem:s15], [sflag:$0xB], $0x400, s4, s14, $0x38;
	[tilespmem:$0x10200] =	vst v63  }
0xb8: {  	s17 =	sadd.s32 $0x2100, s26;
	s15 =	simm.s32 $0x5200  }
0xb9: {  	[hbm4b:s17+s14] =	stream.strided.scatter [tilespmem:s15], [sflag:$0xB], $0x400, s4, s14, $0x38;
	[tilespmem:$0x10200] =	vst v63  }
0xba: {  	s17 =	sadd.s32 $0x2140, s26;
	s15 =	simm.s32 $0x5600  }
0xbb: {  	[hbm4b:s17+s14] =	stream.strided.scatter [tilespmem:s15], [sflag:$0xB], $0x400, s4, s14, $0x38;
	[tilespmem:$0x10200] =	vst v63  }
0xbc: {  	s17 =	sadd.s32 $0x2180, s26;
	s15 =	simm.s32 $0x5A00  }
0xbd: {  	[hbm4b:s17+s14] =	stream.strided.scatter [tilespmem:s15], [sflag:$0xB], $0x400, s4, s14, $0x38;
	[tilespmem:$0x10200] =	vst v63  }
0xbe: {  	s28 =	simm.s32 @!p0 $0xF;
	s17 =	sadd.s32 $0x21C0, s26;
	s15 =	simm.s32 $0x5E00  }
0xbf: {  	[hbm4b:s17+s14] =	stream.strided.scatter [tilespmem:s15], [sflag:$0xB], $0x400, s4, s14, $0x38;
	[tilespmem:$0x10200] =	vst v63  }
0xc0: {  	_ =	swait.ge @!p0 [sflag:s28], $0x2000  }
0xc1: {  	[sflag:s28] =	ssyncset.done @!p0 $0x0  }
0xc2: {  	[sflag:s28] =	ssyncadd.s32 @!p0 $0xFFFFE000  }
0xc3: {  	v2 =	vld.msk [tilespmem:s24+$0x0], $0xff;
	_ =	sdelay $0x4  }
0xc4: {  	v3 =	vshll.u32 v2, $0x3  }
0xc5: {  	v2 =	vand.u32 $0x7, v2;
	v3 =	vand.u32 $0xFFFFFFC0, v3  }
0xc6: {  	v2 =	vor.u32 v2, v3  }
0xc7: {  	v2 =	vperm.xlane v2, v0;
	_ =	sdelay $0x1  }
0xc8: {  	v2 =	vadd.s32 v1, v2;
	_ =	sdelay $0x4  }
0xc9: {  	[tilespmem:s21], [sflag:$0x7] =	stream.indirect_vreg.gather [hbm4b:s2+s3], $0x80, v2, vm0, $0xb8;
	[tilespmem:$0x10200] =	vst v63  }
0xca: {  	s15 =	simm.s32 $0xCA00  }
0xcb: {  	[tilespmem:s15], [sflag:$0x7] =	stream.indirect_vreg.gather [hbm4b:s5+s3], $0x80, v2, vm0, $0xb8;
	[tilespmem:$0x10200] =	vst v63  }
0xcc: {  	_ = 	snop  }
0xcd: {  	[tilespmem:s9], [sflag:$0x7] =	stream.indirect_vreg.gather [hbm4b:s6+s3], $0x80, v2, vm0, $0xb8;
	[tilespmem:$0x10200] =	vst v63  }
0xce: {  	s28 =	simm.s32 $0x4  }
0xcf: {  	[tilespmem:s29], [sflag:$0x7] =	stream.indirect_vreg.gather [hbm4b:s7+s3], $0x80, v2, vm0, $0xb8;
	[tilespmem:$0x10200] =	vst v63  }
0xd0: {  	_ =	swait.ge [sflag:s28], $0x2000  }
0xd1: {  	[sflag:s28] =	ssyncset.done $0x0  }
0xd2: {  	s17 =	sadd.s32 $0x3000, s26;
	[sflag:s28] =	ssyncadd.s32 $0xFFFFE000  }
0xd3: {  	[hbm4b:s17+s14] =	stream.strided.scatter [tilespmem:s0], [sflag:$0xC], $0x400, s4, s14, $0x38;
	[tilespmem:$0x10200] =	vst v63  }
0xd4: {  	s17 =	sadd.s32 $0x3040, s26;
	s0 =	simm.s32 $0x6600  }
0xd5: {  	[hbm4b:s17+s14] =	stream.strided.scatter [tilespmem:s0], [sflag:$0xC], $0x400, s4, s14, $0x38;
	[tilespmem:$0x10200] =	vst v63  }
0xd6: {  	s17 =	sadd.s32 $0x3080, s26  }
0xd7: {  	[hbm4b:s17+s14] =	stream.strided.scatter [tilespmem:s19], [sflag:$0xC], $0x400, s4, s14, $0x38;
	[tilespmem:$0x10200] =	vst v63  }
0xd8: {  	s0 =	simm.s32 $0x6E00;
	s19 =	sadd.s32 $0x30C0, s26  }
0xd9: {  	[hbm4b:s19+s14] =	stream.strided.scatter [tilespmem:s0], [sflag:$0xC], $0x400, s4, s14, $0x38;
	[tilespmem:$0x10200] =	vst v63  }
0xda: {  	s19 =	sadd.s32 $0x3100, s26  }
0xdb: {  	[hbm4b:s19+s14] =	stream.strided.scatter [tilespmem:s30], [sflag:$0xC], $0x400, s4, s14, $0x38;
	[tilespmem:$0x10200] =	vst v63  }
0xdc: {  	s0 =	simm.s32 $0x7600;
	s30 =	sadd.s32 $0x3140, s26  }
0xdd: {  	[hbm4b:s30+s14] =	stream.strided.scatter [tilespmem:s0], [sflag:$0xC], $0x400, s4, s14, $0x38;
	[tilespmem:$0x10200] =	vst v63  }
0xde: {  	s17 =	sadd.s32 $0x3180, s26  }
0xdf: {  	[hbm4b:s17+s14] =	stream.strided.scatter [tilespmem:s31], [sflag:$0xC], $0x400, s4, s14, $0x38;
	[tilespmem:$0x10200] =	vst v63  }
0xe0: {  	s26 =	sadd.s32 $0x31C0, s26;
	s19 =	simm.s32 $0x7E00  }
0xe1: {  	[hbm4b:s26+s14] =	stream.strided.scatter [tilespmem:s19], [sflag:$0xC], $0x400, s4, s14, $0x38;
	[tilespmem:$0x10200] =	vst v63  }
0xe2: {  	s26 =	simm.s32 @!p0 $0x10  }
0xe3: {  	_ =	swait.ge @!p0 [sflag:s26], $0x2000  }
0xe4: {  	[sflag:s26] =	ssyncset.done @!p0 $0x0  }
0xe5: {  	[sflag:s26] =	ssyncadd.s32 @!p0 $0xFFFFE000  }
0xe6: {  	v2 =	vld.msk [tilespmem:s24+$0x8], $0xff;
	_ =	sdelay $0x4  }
0xe7: {  	v3 =	vshll.u32 v2, $0x3  }
0xe8: {  	v2 =	vand.u32 $0x7, v2;
	v3 =	vand.u32 $0xFFFFFFC0, v3  }
0xe9: {  	v2 =	vor.u32 v2, v3  }
0xea: {  	v2 =	vperm.xlane v2, v0;
	_ =	sdelay $0x1  }
0xeb: {  	v2 =	vadd.s32 v1, v2;
	_ =	sdelay $0x3  }
0xec: {  	s30 =	simm.s32 $0xE200  }
0xed: {  	[tilespmem:s30], [sflag:$0x8] =	stream.indirect_vreg.gather [hbm4b:s2+s3], $0x80, v2, vm0, $0xb8;
	[tilespmem:$0x10200] =	vst v63  }
0xee: {  	s31 =	simm.s32 $0xEA00  }
0xef: {  	[tilespmem:s31], [sflag:$0x8] =	stream.indirect_vreg.gather [hbm4b:s5+s3], $0x80, v2, vm0, $0xb8;
	[tilespmem:$0x10200] =	vst v63  }
0xf0: {  	s0 =	simm.s32 $0xF200  }
0xf1: {  	[tilespmem:s0], [sflag:$0x8] =	stream.indirect_vreg.gather [hbm4b:s6+s3], $0x80, v2, vm0, $0xb8;
	[tilespmem:$0x10200] =	vst v63  }
0xf2: {  	s19 =	simm.s32 $0xFA00;
	s26 =	simm.s32 $0x5  }
0xf3: {  	[tilespmem:s19], [sflag:$0x8] =	stream.indirect_vreg.gather [hbm4b:s7+s3], $0x80, v2, vm0, $0xb8;
	[tilespmem:$0x10200] =	vst v63  }
0xf4: {  	_ =	swait.ge [sflag:s26], $0x2000  }
0xf5: {  	[sflag:s26] =	ssyncset.done $0x0;
	s28 =	rddreg [dreg:$0x6]  }
0xf6: {  	[sflag:s26] =	ssyncadd.s32 $0xFFFFE000;
	s26 =	sadd.s32 s25, s28  }
0xf7: {  	[hbm4b:s26+s14] =	stream.strided.scatter [tilespmem:s11], [sflag:$0xD], $0x400, s4, s14, $0x38;
	[tilespmem:$0x10200] =	vst v63  }
0xf8: {  	s17 =	simm.s32 $0x8600;
	s11 =	sadd.s32 $0x40, s26  }
0xf9: {  	[hbm4b:s11+s14] =	stream.strided.scatter [tilespmem:s17], [sflag:$0xD], $0x400, s4, s14, $0x38;
	[tilespmem:$0x10200] =	vst v63  }
0xfa: {  	s17 =	sadd.s32 $0x80, s26  }
0xfb: {  	[hbm4b:s17+s14] =	stream.strided.scatter [tilespmem:s12], [sflag:$0xD], $0x400, s4, s14, $0x38;
	[tilespmem:$0x10200] =	vst v63  }
0xfc: {  	s11 =	sadd.s32 $0xC0, s26;
	s17 =	simm.s32 $0x8E00  }
0xfd: {  	[hbm4b:s11+s14] =	stream.strided.scatter [tilespmem:s17], [sflag:$0xD], $0x400, s4, s14, $0x38;
	[tilespmem:$0x10200] =	vst v63  }
0xfe: {  	s17 =	sadd.s32 $0x100, s26  }
0xff: {  	[hbm4b:s17+s14] =	stream.strided.scatter [tilespmem:s13], [sflag:$0xD], $0x400, s4, s14, $0x38;
	[tilespmem:$0x10200] =	vst v63  }
0x100: {  	s11 =	sadd.s32 $0x140, s26;
	s17 =	simm.s32 $0x9600  }
0x101: {  	[hbm4b:s11+s14] =	stream.strided.scatter [tilespmem:s17], [sflag:$0xD], $0x400, s4, s14, $0x38;
	[tilespmem:$0x10200] =	vst v63  }
0x102: {  	s17 =	sadd.s32 $0x180, s26  }
0x103: {  	[hbm4b:s17+s14] =	stream.strided.scatter [tilespmem:s22], [sflag:$0xD], $0x400, s4, s14, $0x38;
	[tilespmem:$0x10200] =	vst v63  }
0x104: {  	s26 =	sadd.s32 $0x1C0, s26;
	s22 =	simm.s32 $0x9E00  }
0x105: {  	[hbm4b:s26+s14] =	stream.strided.scatter [tilespmem:s22], [sflag:$0xD], $0x400, s4, s14, $0x38;
	[tilespmem:$0x10200] =	vst v63  }
0x106: {  	s26 =	simm.s32 $0x9  }
0x107: {  	_ =	swait.ge [sflag:s26], $0x2000  }
0x108: {  	[sflag:s26] =	ssyncset.done $0x0  }
0x109: {  	p0 =	seq.s32 s25, $0x38000;
	[sflag:s26] =	ssyncadd.s32 $0xFFFFE000  }
0x10a: {  	v2 =	vld.msk @!p0 [tilespmem:s24+$0x10], $0xff;
	_ =	sdelay $0x4  }
0x10b: {  	v3 =	vshll.u32 @!p0 v2, $0x3  }
0x10c: {  	v4 =	vlaneseq.u32 @!p0;
	v2 =	vand.u32 @!p0 $0x7, v2;
	v3 =	vand.u32 @!p0 $0xFFFFFFC0, v3  }
0x10d: {  	v2 =	vor.u32 @!p0 v2, v3;
	v3 =	vand.u32 @!p0 $0x7, v4;
	v4 =	vshrl.u32 @!p0 v4, $0x3  }
0x10e: {  	v2 =	vperm.xlane @!p0 v2, v3;
	v4 =	vmul.u32 @!p0 $0x8, v4;
	_ =	sdelay $0x1  }
0x10f: {  	v2 =	vadd.s32 @!p0 v4, v2;
	_ =	sdelay $0x3  }
0x110: {  	vm1 =	vmmov @!p0 $0xffff;
	s28 =	simm.s32 @!p0 $0x200;
	s26 =	simm.s32 @!p0 $0x0  }
0x111: {  	[tilespmem:s28], [sflag:$0x1] =	stream.indirect_vreg.gather @!p0 [hbm4b:s2+s26], $0x80, v2, vm1, $0xb8;
	[tilespmem:$0x10200] =	vst v63  }
0x112: {  	s28 =	simm.s32 @!p0 $0xA00  }
0x113: {  	[tilespmem:s28], [sflag:$0x1] =	stream.indirect_vreg.gather @!p0 [hbm4b:s5+s26], $0x80, v2, vm1, $0xb8;
	[tilespmem:$0x10200] =	vst v63  }
0x114: {  	s28 =	simm.s32 @!p0 $0x1200  }
0x115: {  	[tilespmem:s28], [sflag:$0x1] =	stream.indirect_vreg.gather @!p0 [hbm4b:s6+s26], $0x80, v2, vm1, $0xb8;
	[tilespmem:$0x10200] =	vst v63  }
0x116: {  	s28 =	simm.s32 @!p0 $0x1A00  }
0x117: {  	[tilespmem:s28], [sflag:$0x1] =	stream.indirect_vreg.gather @!p0 [hbm4b:s7+s26], $0x80, v2, vm1, $0xb8;
	[tilespmem:$0x10200] =	vst v63  }
0x118: {  	s28 =	simm.s32 $0x6  }
0x119: {  	_ =	swait.ge [sflag:s28], $0x2000  }
0x11a: {  	[sflag:s28] =	ssyncset.done $0x0;
	s11 =	rddreg [dreg:$0x7]  }
0x11b: {  	[sflag:s28] =	ssyncadd.s32 $0xFFFFE000;
	s28 =	sadd.s32 s25, s11  }
0x11c: {  	[hbm4b:s28+s14] =	stream.strided.scatter [tilespmem:s18], [sflag:$0xE], $0x400, s4, s14, $0x38;
	[tilespmem:$0x10200] =	vst v63  }
0x11d: {  	s22 =	simm.s32 $0xA600;
	s17 =	sadd.s32 $0x40, s28  }
0x11e: {  	[hbm4b:s17+s14] =	stream.strided.scatter [tilespmem:s22], [sflag:$0xE], $0x400, s4, s14, $0x38;
	[tilespmem:$0x10200] =	vst v63  }
0x11f: {  	s11 =	sadd.s32 $0x80, s28  }
0x120: {  	[hbm4b:s11+s14] =	stream.strided.scatter [tilespmem:s23], [sflag:$0xE], $0x400, s4, s14, $0x38;
	[tilespmem:$0x10200] =	vst v63  }
0x121: {  	s18 =	sadd.s32 $0xC0, s28;
	s22 =	simm.s32 $0xAE00  }
0x122: {  	[hbm4b:s18+s14] =	stream.strided.scatter [tilespmem:s22], [sflag:$0xE], $0x400, s4, s14, $0x38;
	[tilespmem:$0x10200] =	vst v63  }
0x123: {  	s23 =	sadd.s32 $0x100, s28  }
0x124: {  	[hbm4b:s23+s14] =	stream.strided.scatter [tilespmem:s10], [sflag:$0xE], $0x400, s4, s14, $0x38;
	[tilespmem:$0x10200] =	vst v63  }
0x125: {  	s11 =	simm.s32 $0xB600;
	s10 =	sadd.s32 $0x140, s28  }
0x126: {  	[hbm4b:s10+s14] =	stream.strided.scatter [tilespmem:s11], [sflag:$0xE], $0x400, s4, s14, $0x38;
	[tilespmem:$0x10200] =	vst v63  }
0x127: {  	s18 =	sadd.s32 $0x180, s28  }
0x128: {  	[hbm4b:s18+s14] =	stream.strided.scatter [tilespmem:s1], [sflag:$0xE], $0x400, s4, s14, $0x38;
	[tilespmem:$0x10200] =	vst v63  }
0x129: {  	s22 =	sadd.s32 $0x1C0, s28;
	s23 =	simm.s32 $0xBE00;
	s28 =	simm.s32 $0xA  }
0x12a: {  	[hbm4b:s22+s14] =	stream.strided.scatter [tilespmem:s23], [sflag:$0xE], $0x400, s4, s14, $0x38;
	[tilespmem:$0x10200] =	vst v63  }
0x12b: {  	_ =	swait.ge [sflag:s28], $0x2000  }
0x12c: {  	[sflag:s28] =	ssyncset.done $0x0  }
0x12d: {  	[sflag:s28] =	ssyncadd.s32 $0xFFFFE000  }
0x12e: {  	v2 =	vld.msk @!p0 [tilespmem:s24+$0x18], $0xff;
	_ =	sdelay $0x4  }
0x12f: {  	v5 =	vshll.u32 @!p0 v2, $0x3  }
0x130: {  	v2 =	vand.u32 @!p0 $0x7, v2;
	v5 =	vand.u32 @!p0 $0xFFFFFFC0, v5  }
0x131: {  	v2 =	vor.u32 @!p0 v2, v5  }
0x132: {  	v2 =	vperm.xlane @!p0 v2, v3;
	_ =	sdelay $0x1  }
0x133: {  	v2 =	vadd.s32 @!p0 v4, v2;
	_ =	sdelay $0x3  }
0x134: {  	s17 =	simm.s32 @!p0 $0x2200  }
0x135: {  	[tilespmem:s17], [sflag:$0x2] =	stream.indirect_vreg.gather @!p0 [hbm4b:s2+s26], $0x80, v2, vm1, $0xb8;
	[tilespmem:$0x10200] =	vst v63  }
0x136: {  	s17 =	simm.s32 @!p0 $0x2A00  }
0x137: {  	[tilespmem:s17], [sflag:$0x2] =	stream.indirect_vreg.gather @!p0 [hbm4b:s5+s26], $0x80, v2, vm1, $0xb8;
	[tilespmem:$0x10200] =	vst v63  }
0x138: {  	s17 =	simm.s32 @!p0 $0x3200  }
0x139: {  	[tilespmem:s17], [sflag:$0x2] =	stream.indirect_vreg.gather @!p0 [hbm4b:s6+s26], $0x80, v2, vm1, $0xb8;
	[tilespmem:$0x10200] =	vst v63  }
0x13a: {  	s10 =	simm.s32 $0x7;
	s17 =	simm.s32 @!p0 $0x3A00  }
0x13b: {  	[tilespmem:s17], [sflag:$0x2] =	stream.indirect_vreg.gather @!p0 [hbm4b:s7+s26], $0x80, v2, vm1, $0xb8;
	[tilespmem:$0x10200] =	vst v63  }
0x13c: {  	_ =	swait.ge [sflag:s10], $0x2000  }
0x13d: {  	[sflag:s10] =	ssyncset.done $0x0;
	s11 =	rddreg [dreg:$0x9]  }
0x13e: {  	[sflag:s10] =	ssyncadd.s32 $0xFFFFE000;
	s17 =	sadd.s32 s25, s11  }
0x13f: {  	[hbm4b:s17+s14] =	stream.strided.scatter [tilespmem:s21], [sflag:$0xF], $0x400, s4, s14, $0x38;
	[tilespmem:$0x10200] =	vst v63  }
0x140: {  	s22 =	simm.s32 $0xC600;
	s18 =	sadd.s32 $0x40, s17  }
0x141: {  	[hbm4b:s18+s14] =	stream.strided.scatter [tilespmem:s22], [sflag:$0xF], $0x400, s4, s14, $0x38;
	[tilespmem:$0x10200] =	vst v63  }
0x142: {  	s23 =	sadd.s32 $0x80, s17  }
0x143: {  	[hbm4b:s23+s14] =	stream.strided.scatter [tilespmem:s15], [sflag:$0xF], $0x400, s4, s14, $0x38;
	[tilespmem:$0x10200] =	vst v63  }
0x144: {  	s10 =	simm.s32 $0xCE00;
	s1 =	sadd.s32 $0xC0, s17  }
0x145: {  	[hbm4b:s1+s14] =	stream.strided.scatter [tilespmem:s10], [sflag:$0xF], $0x400, s4, s14, $0x38;
	[tilespmem:$0x10200] =	vst v63  }
0x146: {  	s11 =	sadd.s32 $0x100, s17  }
0x147: {  	[hbm4b:s11+s14] =	stream.strided.scatter [tilespmem:s9], [sflag:$0xF], $0x400, s4, s14, $0x38;
	[tilespmem:$0x10200] =	vst v63  }
0x148: {  	s18 =	simm.s32 $0xD600;
	s15 =	sadd.s32 $0x140, s17  }
0x149: {  	[hbm4b:s15+s14] =	stream.strided.scatter [tilespmem:s18], [sflag:$0xF], $0x400, s4, s14, $0x38;
	[tilespmem:$0x10200] =	vst v63  }
0x14a: {  	s22 =	sadd.s32 $0x180, s17  }
0x14b: {  	[hbm4b:s22+s14] =	stream.strided.scatter [tilespmem:s29], [sflag:$0xF], $0x400, s4, s14, $0x38;
	[tilespmem:$0x10200] =	vst v63  }
0x14c: {  	s17 =	sadd.s32 $0x1C0, s17;
	s23 =	simm.s32 $0xDE00  }
0x14d: {  	[hbm4b:s17+s14] =	stream.strided.scatter [tilespmem:s23], [sflag:$0xF], $0x400, s4, s14, $0x38;
	[tilespmem:$0x10200] =	vst v63  }
0x14e: {  	_ =	swait.ge [sflag:s8], $0x2000  }
0x14f: {  	[sflag:s8] =	ssyncset.done $0x0  }
0x150: {  	[sflag:s8] =	ssyncadd.s32 $0xFFFFE000  }
0x151: {  	v2 =	vld.msk @!p0 [tilespmem:s24+$0x20], $0xff;
	_ =	sdelay $0x4  }
0x152: {  	v5 =	vshll.u32 @!p0 v2, $0x3  }
0x153: {  	v2 =	vand.u32 @!p0 $0x7, v2;
	v5 =	vand.u32 @!p0 $0xFFFFFFC0, v5  }
0x154: {  	v2 =	vor.u32 @!p0 v2, v5  }
0x155: {  	v2 =	vperm.xlane @!p0 v2, v3;
	_ =	sdelay $0x1  }
0x156: {  	v2 =	vadd.s32 @!p0 v4, v2;
	_ =	sdelay $0x3  }
0x157: {  	s17 =	simm.s32 @!p0 $0x4200  }
0x158: {  	[tilespmem:s17], [sflag:$0x3] =	stream.indirect_vreg.gather @!p0 [hbm4b:s2+s26], $0x80, v2, vm1, $0xb8;
	[tilespmem:$0x10200] =	vst v63  }
0x159: {  	s17 =	simm.s32 @!p0 $0x4A00  }
0x15a: {  	[tilespmem:s17], [sflag:$0x3] =	stream.indirect_vreg.gather @!p0 [hbm4b:s5+s26], $0x80, v2, vm1, $0xb8;
	[tilespmem:$0x10200] =	vst v63  }
0x15b: {  	s17 =	simm.s32 @!p0 $0x5200  }
0x15c: {  	[tilespmem:s17], [sflag:$0x3] =	stream.indirect_vreg.gather @!p0 [hbm4b:s6+s26], $0x80, v2, vm1, $0xb8;
	[tilespmem:$0x10200] =	vst v63  }
0x15d: {  	s17 =	simm.s32 @!p0 $0x5A00  }
0x15e: {  	[tilespmem:s17], [sflag:$0x3] =	stream.indirect_vreg.gather @!p0 [hbm4b:s7+s26], $0x80, v2, vm1, $0xb8;
	[tilespmem:$0x10200] =	vst v63  }
0x15f: {  	_ =	swait.ge [sflag:s20], $0x2000  }
0x160: {  	[sflag:s20] =	ssyncset.done $0x0;
	s28 =	rddreg [dreg:$0xa]  }
0x161: {  	[sflag:s20] =	ssyncadd.s32 $0xFFFFE000;
	s17 =	sadd.s32 s25, s28  }
0x162: {  	[hbm4b:s17+s14] =	stream.strided.scatter [tilespmem:s30], [sflag:$0x10], $0x400, s4, s14, $0x38;
	[tilespmem:$0x10200] =	vst v63  }
0x163: {  	s10 =	simm.s32 $0xE600;
	s1 =	sadd.s32 $0x40, s17  }
0x164: {  	[hbm4b:s1+s14] =	stream.strided.scatter [tilespmem:s10], [sflag:$0x10], $0x400, s4, s14, $0x38;
	[tilespmem:$0x10200] =	vst v63  }
0x165: {  	s11 =	sadd.s32 $0x80, s17  }
0x166: {  	[hbm4b:s11+s14] =	stream.strided.scatter [tilespmem:s31], [sflag:$0x10], $0x400, s4, s14, $0x38;
	[tilespmem:$0x10200] =	vst v63  }
0x167: {  	s18 =	simm.s32 $0xEE00;
	s15 =	sadd.s32 $0xC0, s17  }
0x168: {  	[hbm4b:s15+s14] =	stream.strided.scatter [tilespmem:s18], [sflag:$0x10], $0x400, s4, s14, $0x38;
	[tilespmem:$0x10200] =	vst v63  }
0x169: {  	s22 =	sadd.s32 $0x100, s17  }
0x16a: {  	[hbm4b:s22+s14] =	stream.strided.scatter [tilespmem:s0], [sflag:$0x10], $0x400, s4, s14, $0x38;
	[tilespmem:$0x10200] =	vst v63  }
0x16b: {  	s28 =	simm.s32 $0xF600;
	s23 =	sadd.s32 $0x140, s17  }
0x16c: {  	[hbm4b:s23+s14] =	stream.strided.scatter [tilespmem:s28], [sflag:$0x10], $0x400, s4, s14, $0x38;
	[tilespmem:$0x10200] =	vst v63  }
0x16d: {  	s30 =	sadd.s32 $0x180, s17  }
0x16e: {  	[hbm4b:s30+s14] =	stream.strided.scatter [tilespmem:s19], [sflag:$0x10], $0x400, s4, s14, $0x38;
	[tilespmem:$0x10200] =	vst v63  }
.Ltmp2:
0x16f: {  	s17 =	sadd.s32 $0x1C0, s17;
	s31 =	simm.s32 $0xFE00;
	(pc) =	sbr.rel @p0 .LBB2_4-.Ltmp2, $4  }
0x170: {  	[hbm4b:s17+s14] =	stream.strided.scatter [tilespmem:s31], [sflag:$0x10], $0x400, s4, s14, $0x38;
	[tilespmem:$0x10200] =	vst v63  }
0x171: {  	_ =	swait.ge [sflag:s16], $0x2000  }
0x172: {  	[sflag:s16] =	ssyncset.done $0x0  }
0x173: {  	[sflag:s16] =	ssyncadd.s32 $0xFFFFE000  }
0x174: {  	v2 =	vld.msk [tilespmem:s24+$0x28], $0xff;
	_ =	sdelay $0x4  }
0x175: {  	v3 =	vshll.u32 v2, $0x3  }
0x176: {  	v2 =	vand.u32 $0x7, v2;
	v3 =	vand.u32 $0xFFFFFFC0, v3  }
0x177: {  	v2 =	vor.u32 v2, v3  }
0x178: {  	v2 =	vperm.xlane v2, v0;
	_ =	sdelay $0x1  }
0x179: {  	v2 =	vadd.s32 v1, v2;
	_ =	sdelay $0x3  }
0x17a: {  	s0 =	simm.s32 $0x6200  }
0x17b: {  	[tilespmem:s0], [sflag:$0x4] =	stream.indirect_vreg.gather [hbm4b:s2+s3], $0x80, v2, vm0, $0xb8;
	[tilespmem:$0x10200] =	vst v63  }
0x17c: {  	s19 =	simm.s32 $0x6A00  }
0x17d: {  	[tilespmem:s19], [sflag:$0x4] =	stream.indirect_vreg.gather [hbm4b:s5+s3], $0x80, v2, vm0, $0xb8;
	[tilespmem:$0x10200] =	vst v63  }
.Ltmp3:
0x17e: {  	_ = 	snop;
	(pc) =	sbr.rel .LBB2_2-.Ltmp3, $4  }
0x17f: {  	s30 =	simm.s32 $0x7200  }
0x180: {  	[tilespmem:s30], [sflag:$0x4] =	stream.indirect_vreg.gather [hbm4b:s6+s3], $0x80, v2, vm0, $0xb8;
	[tilespmem:$0x10200] =	vst v63  }
0x181: {  	s31 =	simm.s32 $0x7A00;
	s25 =	sadd.s32 $0x8000, s25;
	s24 =	sadd.s32 $0x40, s24  }
0x182: {  	[tilespmem:s31], [sflag:$0x4] =	stream.indirect_vreg.gather [hbm4b:s7+s3], $0x80, v2, vm0, $0xb8;
	[tilespmem:$0x10200] =	vst v63  }
.LBB2_5:
0x183: {  	_ =	sfence.sel $0x180000  }
0x184: {  	[bflag:$0x0] =	sbarrier.arrive $0xFFFF  }
0x185: {  	_ =	strace $0x90000047  }
0x186: {  	s0 =	stileid.u32;
	[bflag:$0x2] =	sbarrier.arrive $0xFFFF  }
0x187: {  	p0 =	sne.s32 s0, $0x0;
	s0 =	rddreg [dreg:$0x3]  }
0x188: {  	s0 =	sadd.s32 @!p0 $0x100000, s0  }
0x189: {  	[sflag:s0] =	ssyncadd.tile.s32 @!p0 $0x1;
	_ =	shalt  }
.Lfunc_end2:
_tile_overlayer_lowered:
.L_overlay_start_2:
0x18a: {  	(tag) =	ssettag $0x2  }
0x18b: {  	s0 =	rddreg [dreg:$0x0];
	s2 =	stileid.u32  }
0x18c: {  	s1 =	rddreg [dreg:$0x1];
	p0 =	sne.s32 s2, $0x0  }
0x18d: {  	s3 =	rddreg [dreg:$0x2];
	[bflag:$0x3] =	sbarrier.arrive $0xFFFF;
	s2 =	simm.s32 @!p0 $0x1C11  }
0x18e: {  	[timem:s3], [sflag:s2] =	dma.local @!p0 [hbm:s0], s1  }
0x18f: {  	s0 =	simm.s32 @!p0 $0x11  }
0x190: {  	_ =	swait.ge @!p0 [sflag:s0], s1  }
0x191: {  	s1 =	ssub.s32 @!p0 $0x0, s1;
	[sflag:s0] =	ssyncset.done @!p0 $0x0  }
0x192: {  	[sflag:s0] =	ssyncadd.s32 @!p0 s1  }
0x193: {  	[bflag:$0x3] =	sbarrier.arrive $0xFFFF  }
0x194: {  	_ =	shalt  }

</sc_bundles>
